<compile_context>
chip_gen: v7x
topology: tpu7x:2x2x1
jax: 0.10.2.dev20260603
libtpu: 0.0.44.dev20260713+nightly
codegen_flags: <defaults>
</compile_context>

<pallas_src>
import functools

import jax
import jax.numpy as jnp
from jax import lax
from jax.experimental import pallas as pl
from jax.experimental.pallas import tpu as pltpu
from jax.experimental.pallas import tpu_sc as plsc

_CHUNK = 128
_VB = 8192
_SH = _VB.bit_length() - 1


def _transpose_body(u_ref, i_ref, uo_ref, io_ref):
    ut = u_ref[...].T
    it = i_ref[...].T
    uo_ref[:, :64] = ut[:_VB // 2]
    io_ref[:, :64] = it[:_VB // 2]
    uo_ref[:, 64:] = ut[_VB // 2:]
    io_ref[:, 64:] = it[_VB // 2:]


def _make_transpose(V, D):
    grid = (V + _VB - 1) // _VB
    out_rows = grid * _VB // 2
    return pl.pallas_call(
        _transpose_body,
        grid=(grid,),
        in_specs=[
            pl.BlockSpec((D, _VB), lambda i: (0, i)),
            pl.BlockSpec((D, _VB), lambda i: (0, i)),
        ],
        out_specs=[
            pl.BlockSpec((_VB // 2, 2 * D), lambda i: (i, 0)),
            pl.BlockSpec((_VB // 2, 2 * D), lambda i: (i, 0)),
        ],
        out_shape=[
            jax.ShapeDtypeStruct((out_rows, 2 * D), jnp.float32),
            jax.ShapeDtypeStruct((out_rows, 2 * D), jnp.float32),
        ],
    )


def _make_sc_gather(B, W):
    info = plsc.get_sparse_core_info()
    NC, NS = info.num_cores, info.num_subcores
    NW = NC * NS
    assert B % (8 * NW) == 0
    b_per_w = B // NW
    n_chunks = b_per_w // _CHUNK
    assert n_chunks * _CHUNK == b_per_w

    mesh = plsc.VectorSubcoreMesh(core_axis_name="c", subcore_axis_name="s")

    @functools.partial(
        pl.kernel,
        mesh=mesh,
        out_type=(
            jax.ShapeDtypeStruct((B, W), jnp.float32),
            jax.ShapeDtypeStruct((B, W), jnp.float32),
            jax.ShapeDtypeStruct((B, W), jnp.float32),
        ),
        scratch_types=[
            pltpu.VMEM((b_per_w,), jnp.int32),
            pltpu.VMEM((b_per_w,), jnp.int32),
            pltpu.VMEM((b_per_w,), jnp.int32),
            pltpu.VMEM((_CHUNK, W), jnp.float32),
            pltpu.VMEM((_CHUNK, W), jnp.float32),
            pltpu.VMEM((_CHUNK, W), jnp.float32),
            pltpu.SemaphoreType.DMA,
        ],
    )
    def k(user_hbm, pos_hbm, neg_hbm, ut_hbm, it_hbm,
          uout, pout, nout, uidx, pidx, nidx, ubuf, pbuf, nbuf, sem):
        wid = lax.axis_index("s") * NC + lax.axis_index("c")
        base = wid * b_per_w
        pltpu.sync_copy(user_hbm.at[pl.ds(base, b_per_w)], uidx)
        pltpu.sync_copy(pos_hbm.at[pl.ds(base, b_per_w)], pidx)
        pltpu.sync_copy(neg_hbm.at[pl.ds(base, b_per_w)], nidx)

        def remap(i, _):
            s = pl.ds(i * 16, 16)
            for ref in (uidx, pidx, nidx):
                v = ref[s]
                ref[s] = jnp.bitwise_or(
                    lax.shift_left(lax.shift_right_logical(v, _SH), _SH - 1),
                    jnp.bitwise_and(v, _VB // 2 - 1))
            return _

        lax.fori_loop(0, b_per_w // 16, remap, 0)

        for j in range(n_chunks):
            sl = pl.ds(j * _CHUNK, _CHUNK)
            osl = pl.ds(base + j * _CHUNK, _CHUNK)
            cu = pltpu.async_copy(ut_hbm.at[uidx.at[sl]], ubuf, sem)
            cp = pltpu.async_copy(it_hbm.at[pidx.at[sl]], pbuf, sem)
            cn = pltpu.async_copy(it_hbm.at[nidx.at[sl]], nbuf, sem)
            cu.wait()
            pltpu.sync_copy(ubuf, uout.at[osl])
            cp.wait()
            pltpu.sync_copy(pbuf, pout.at[osl])
            cn.wait()
            pltpu.sync_copy(nbuf, nout.at[osl])

    return k


def kernel(user, pos, neg, user_table, item_table):
    B = user.shape[0]
    V, D = user_table.shape
    ut_pair, it_pair = _make_transpose(V, D)(user_table.T, item_table.T)
    k = _make_sc_gather(B, 2 * D)
    u, p, n = k(user.reshape(B), pos.reshape(B), neg.reshape(B),
                ut_pair, it_pair)

    def pick(pairs, idx):
        second = ((idx >> (_SH - 1)) & 1) == 1
        return jnp.where(second.reshape(B, 1), pairs[:, D:], pairs[:, :D])

    out = jnp.concatenate(
        [pick(u, user), pick(p, pos), pick(n, neg)], axis=-1)
    return out.reshape(B, 1, 3 * D)

# --- scband reference (transcript-rebuilt; emitter-appended) ---
"""Pipeline reference for scband-bi-gn-10952166605434 (READ-ONLY COPY).

The authoritative reference and input builder live on the scoring server;
editing this copy changes nothing except your own understanding.
"""

import jax, jax.numpy as jnp
import numpy as np

USER_VOCAB = 1000000
ITEM_VOCAB = 1000000
EMBED_DIM = 64
BATCH = 16384

def setup_inputs(seed: int = 0) -> dict:
    key = jax.random.key(seed)
    k1, k2, k3, k4, k5 = jax.random.split(key, 5)
    user = jax.random.randint(k1, (BATCH, 1), 0, USER_VOCAB, dtype=jnp.int64 if jax.config.jax_enable_x64 else jnp.int32).astype(jnp.int32)
    pos = jax.random.randint(k2, (BATCH, 1), 0, ITEM_VOCAB, dtype=jnp.int32)
    neg = jax.random.randint(k3, (BATCH, 1), 0, ITEM_VOCAB, dtype=jnp.int32)
    # learned parameters: embedding tables (random_normal init in keras)
    user_table = jax.random.normal(k4, (USER_VOCAB, EMBED_DIM), dtype=jnp.float32) * 0.05
    item_table = jax.random.normal(k5, (ITEM_VOCAB, EMBED_DIM), dtype=jnp.float32) * 0.05
    return {"user": user, "pos": pos, "neg": neg, "user_table": user_table, "item_table": item_table}

def reference(user, pos, neg, user_table, item_table):
    # Faithful translation of BiGN.call: three embedding lookups + concat on last axis.
    # keras Embedding on [B,1] int input -> [B,1,embed_dim]
    user_embed = jnp.take(user_table, user, axis=0)   # [B, 1, D]
    pos_embed = jnp.take(item_table, pos, axis=0)     # [B, 1, D]
    neg_embed = jnp.take(item_table, neg, axis=0)     # [B, 1, D]
    logits = jnp.concatenate([user_embed, pos_embed, neg_embed], axis=-1)  # [B, 1, 3D]
    return logits

if __name__ == "__main__":
    import jax
    _d = setup_inputs()
    print(jax.jit(kernel)(*tuple(_d.values())))

</pallas_src>

<mosaic_0001>
#map = affine_map<(d0, d1) -> (0)>
#map1 = affine_map<(d0, d1) -> (0, 0)>
module attributes {stable_mosaic.version = 14 : i64} {
  func.func @k(%arg0: i32, %arg1: i32, %arg2: memref<16384xi32, #tpu.memory_space<hbm>>, %arg3: memref<16384xi32, #tpu.memory_space<hbm>>, %arg4: memref<16384xi32, #tpu.memory_space<hbm>>, %arg5: memref<503808x128xf32, #tpu.memory_space<hbm>>, %arg6: memref<503808x128xf32, #tpu.memory_space<hbm>>, %arg7: memref<16384x128xf32, #tpu.memory_space<hbm>>, %arg8: memref<16384x128xf32, #tpu.memory_space<hbm>>, %arg9: memref<16384x128xf32, #tpu.memory_space<hbm>>, %arg10: memref<512xi32, #tpu.memory_space<vmem>>, %arg11: memref<512xi32, #tpu.memory_space<vmem>>, %arg12: memref<512xi32, #tpu.memory_space<vmem>>, %arg13: memref<128x128xf32, #tpu.memory_space<vmem>>, %arg14: memref<128x128xf32, #tpu.memory_space<vmem>>, %arg15: memref<128x128xf32, #tpu.memory_space<vmem>>, %arg16: memref<!tpu.dma_semaphore, #tpu.memory_space<semaphore_mem>>) attributes {dimension_semantics = [#tpu.dimension_semantics<core_parallel>, #tpu.dimension_semantics<subcore_parallel>], iteration_bounds = array<i64: 2, 16>, scalar_prefetch = 0 : i64, scratch_operands = 7 : i64, tpu.core_type = #tpu.core_type<sc_vector_subcore>, window_params = [{transform_indices = #map}, {transform_indices = #map}, {transform_indices = #map}, {transform_indices = #map1}, {transform_indices = #map1}, {transform_indices = #map1}, {transform_indices = #map1}, {transform_indices = #map1}]} {
    %mul3A = arith.constant 2 : i32
    %mul3A_0 = arith.muli %arg1, %mul3A : i32
    %add3A = arith.addi %mul3A_0, %arg0 : i32
    %mul3A_1 = arith.constant 512 : i32
    %mul3A_2 = arith.muli %add3A, %mul3A_1 : i32
    "tpu.region"() ({
      %run_scoped3A = tpu.sem_alloc : memref<!tpu.dma_semaphore, #tpu.memory_space<semaphore_mem>>
      %dma_start3A_134 = tpu.memref_slice %arg2[%mul3A_2] : memref<16384xi32, #tpu.memory_space<hbm>> -> memref<512xi32, #tpu.memory_space<hbm>>
      %dma_start3A_135 = tpu.memref_slice %arg2[%mul3A_2] : memref<16384xi32, #tpu.memory_space<hbm>> -> memref<512xi32, #tpu.memory_space<hbm>>
      tpu.enqueue_dma source(%dma_start3A_135 : memref<512xi32, #tpu.memory_space<hbm>>) target(%arg10 : memref<512xi32, #tpu.memory_space<vmem>>) target_semaphore(%run_scoped3A : memref<!tpu.dma_semaphore, #tpu.memory_space<semaphore_mem>>)
      %dma_wait3A_136 = tpu.memref_slice %arg2[%mul3A_2] : memref<16384xi32, #tpu.memory_space<hbm>> -> memref<512xi32, #tpu.memory_space<hbm>>
      %dma_wait3A_137 = tpu.memref_slice %arg2[%mul3A_2] : memref<16384xi32, #tpu.memory_space<hbm>> -> memref<512xi32, #tpu.memory_space<hbm>>
      tpu.wait_dma2 semaphore(%run_scoped3A : memref<!tpu.dma_semaphore, #tpu.memory_space<semaphore_mem>>) src(%dma_wait3A_137 : memref<512xi32, #tpu.memory_space<hbm>>) dst(%arg10 : memref<512xi32, #tpu.memory_space<vmem>>)
      tpu.yield
    }) : () -> ()
    "tpu.region"() ({
      %run_scoped3A = tpu.sem_alloc : memref<!tpu.dma_semaphore, #tpu.memory_space<semaphore_mem>>
      %dma_start3A_134 = tpu.memref_slice %arg3[%mul3A_2] : memref<16384xi32, #tpu.memory_space<hbm>> -> memref<512xi32, #tpu.memory_space<hbm>>
      %dma_start3A_135 = tpu.memref_slice %arg3[%mul3A_2] : memref<16384xi32, #tpu.memory_space<hbm>> -> memref<512xi32, #tpu.memory_space<hbm>>
      tpu.enqueue_dma source(%dma_start3A_135 : memref<512xi32, #tpu.memory_space<hbm>>) target(%arg11 : memref<512xi32, #tpu.memory_space<vmem>>) target_semaphore(%run_scoped3A : memref<!tpu.dma_semaphore, #tpu.memory_space<semaphore_mem>>)
      %dma_wait3A_136 = tpu.memref_slice %arg3[%mul3A_2] : memref<16384xi32, #tpu.memory_space<hbm>> -> memref<512xi32, #tpu.memory_space<hbm>>
      %dma_wait3A_137 = tpu.memref_slice %arg3[%mul3A_2] : memref<16384xi32, #tpu.memory_space<hbm>> -> memref<512xi32, #tpu.memory_space<hbm>>
      tpu.wait_dma2 semaphore(%run_scoped3A : memref<!tpu.dma_semaphore, #tpu.memory_space<semaphore_mem>>) src(%dma_wait3A_137 : memref<512xi32, #tpu.memory_space<hbm>>) dst(%arg11 : memref<512xi32, #tpu.memory_space<vmem>>)
      tpu.yield
    }) : () -> ()
    "tpu.region"() ({
      %run_scoped3A = tpu.sem_alloc : memref<!tpu.dma_semaphore, #tpu.memory_space<semaphore_mem>>
      %dma_start3A_134 = tpu.memref_slice %arg4[%mul3A_2] : memref<16384xi32, #tpu.memory_space<hbm>> -> memref<512xi32, #tpu.memory_space<hbm>>
      %dma_start3A_135 = tpu.memref_slice %arg4[%mul3A_2] : memref<16384xi32, #tpu.memory_space<hbm>> -> memref<512xi32, #tpu.memory_space<hbm>>
      tpu.enqueue_dma source(%dma_start3A_135 : memref<512xi32, #tpu.memory_space<hbm>>) target(%arg12 : memref<512xi32, #tpu.memory_space<vmem>>) target_semaphore(%run_scoped3A : memref<!tpu.dma_semaphore, #tpu.memory_space<semaphore_mem>>)
      %dma_wait3A_136 = tpu.memref_slice %arg4[%mul3A_2] : memref<16384xi32, #tpu.memory_space<hbm>> -> memref<512xi32, #tpu.memory_space<hbm>>
      %dma_wait3A_137 = tpu.memref_slice %arg4[%mul3A_2] : memref<16384xi32, #tpu.memory_space<hbm>> -> memref<512xi32, #tpu.memory_space<hbm>>
      tpu.wait_dma2 semaphore(%run_scoped3A : memref<!tpu.dma_semaphore, #tpu.memory_space<semaphore_mem>>) src(%dma_wait3A_137 : memref<512xi32, #tpu.memory_space<hbm>>) dst(%arg12 : memref<512xi32, #tpu.memory_space<vmem>>)
      tpu.yield
    }) : () -> ()
    %scan3A = arith.constant 0 : i32
    %scan3A_3 = arith.constant 0 : i32
    %scan3A_4 = arith.constant 32 : i32
    %scan3A_5 = arith.addi %scan3A_3, %scan3A_4 : i32
    %scan3A_6 = arith.constant 1 : i32
    scf.for %scan3A_134 = %scan3A_3 to %scan3A_5 step %scan3A_6  : i32 {
      %mul3A_135 = arith.constant 16 : i32
      %mul3A_136 = arith.muli %scan3A_134, %mul3A_135 : i32
      %get3A = arith.index_cast %mul3A_136 : i32 to index
      %get3A_137 = tpu.vector_load %arg10[%get3A] {strides = array<i32>} : memref<512xi32, #tpu.memory_space<vmem>>, vector<16xi32>,
      %get3A_138 = vector.shape_cast %get3A_137 : vector<16xi32> to vector<16xi32>
      %shift_right_logical3A = arith.constant 13 : i32
      %shift_right_logical3A_139 = vector.broadcast %shift_right_logical3A : i32 to vector<16xi32>
      %shift_right_logical3A_140 = arith.shrui %get3A_138, %shift_right_logical3A_139 : vector<16xi32>
      %shift_left3A = arith.constant 12 : i32
      %shift_left3A_141 = vector.broadcast %shift_left3A : i32 to vector<16xi32>
      %shift_left3A_142 = arith.shli %shift_right_logical3A_140, %shift_left3A_141 : vector<16xi32>
      %and3A = arith.constant 4095 : i32
      %and3A_143 = vector.broadcast %and3A : i32 to vector<16xi32>
      %and3A_144 = arith.andi %get3A_138, %and3A_143 : vector<16xi32>
      %or3A = arith.ori %shift_left3A_142, %and3A_144 : vector<16xi32>
      %swap3A = arith.index_cast %mul3A_136 : i32 to index
      %swap3A_145 = tpu.vector_load %arg10[%swap3A] {strides = array<i32>} : memref<512xi32, #tpu.memory_space<vmem>>, vector<16xi32>,
      %swap3A_146 = vector.shape_cast %swap3A_145 : vector<16xi32> to vector<16xi32>
      %swap3A_147 = vector.shape_cast %or3A : vector<16xi32> to vector<16xi32>
      tpu.vector_store %arg10[%swap3A], %swap3A_147 {strides = array<i32>} : memref<512xi32, #tpu.memory_space<vmem>>, vector<16xi32>,
      %get3A_148 = arith.index_cast %mul3A_136 : i32 to index
      %get3A_149 = tpu.vector_load %arg11[%get3A_148] {strides = array<i32>} : memref<512xi32, #tpu.memory_space<vmem>>, vector<16xi32>,
      %get3A_150 = vector.shape_cast %get3A_149 : vector<16xi32> to vector<16xi32>
      %shift_right_logical3A_151 = arith.constant 13 : i32
      %shift_right_logical3A_152 = vector.broadcast %shift_right_logical3A_151 : i32 to vector<16xi32>
      %shift_right_logical3A_153 = arith.shrui %get3A_150, %shift_right_logical3A_152 : vector<16xi32>
      %shift_left3A_154 = arith.constant 12 : i32
      %shift_left3A_155 = vector.broadcast %shift_left3A_154 : i32 to vector<16xi32>
      %shift_left3A_156 = arith.shli %shift_right_logical3A_153, %shift_left3A_155 : vector<16xi32>
      %and3A_157 = arith.constant 4095 : i32
      %and3A_158 = vector.broadcast %and3A_157 : i32 to vector<16xi32>
      %and3A_159 = arith.andi %get3A_150, %and3A_158 : vector<16xi32>
      %or3A_160 = arith.ori %shift_left3A_156, %and3A_159 : vector<16xi32>
      %swap3A_161 = arith.index_cast %mul3A_136 : i32 to index
      %swap3A_162 = tpu.vector_load %arg11[%swap3A_161] {strides = array<i32>} : memref<512xi32, #tpu.memory_space<vmem>>, vector<16xi32>,
      %swap3A_163 = vector.shape_cast %swap3A_162 : vector<16xi32> to vector<16xi32>
      %swap3A_164 = vector.shape_cast %or3A_160 : vector<16xi32> to vector<16xi32>
      tpu.vector_store %arg11[%swap3A_161], %swap3A_164 {strides = array<i32>} : memref<512xi32, #tpu.memory_space<vmem>>, vector<16xi32>,
      %get3A_165 = arith.index_cast %mul3A_136 : i32 to index
      %get3A_166 = tpu.vector_load %arg12[%get3A_165] {strides = array<i32>} : memref<512xi32, #tpu.memory_space<vmem>>, vector<16xi32>,
      %get3A_167 = vector.shape_cast %get3A_166 : vector<16xi32> to vector<16xi32>
      %shift_right_logical3A_168 = arith.constant 13 : i32
      %shift_right_logical3A_169 = vector.broadcast %shift_right_logical3A_168 : i32 to vector<16xi32>
      %shift_right_logical3A_170 = arith.shrui %get3A_167, %shift_right_logical3A_169 : vector<16xi32>
      %shift_left3A_171 = arith.constant 12 : i32
      %shift_left3A_172 = vector.broadcast %shift_left3A_171 : i32 to vector<16xi32>
      %shift_left3A_173 = arith.shli %shift_right_logical3A_170, %shift_left3A_172 : vector<16xi32>
      %and3A_174 = arith.constant 4095 : i32
      %and3A_175 = vector.broadcast %and3A_174 : i32 to vector<16xi32>
      %and3A_176 = arith.andi %get3A_167, %and3A_175 : vector<16xi32>
      %or3A_177 = arith.ori %shift_left3A_173, %and3A_176 : vector<16xi32>
      %swap3A_178 = arith.index_cast %mul3A_136 : i32 to index
      %swap3A_179 = tpu.vector_load %arg12[%swap3A_178] {strides = array<i32>} : memref<512xi32, #tpu.memory_space<vmem>>, vector<16xi32>,
      %swap3A_180 = vector.shape_cast %swap3A_179 : vector<16xi32> to vector<16xi32>
      %swap3A_181 = vector.shape_cast %or3A_177 : vector<16xi32> to vector<16xi32>
      tpu.vector_store %arg12[%swap3A_178], %swap3A_181 {strides = array<i32>} : memref<512xi32, #tpu.memory_space<vmem>>, vector<16xi32>,
    }
    %scan3A_7 = arith.constant 32 : i32
    %add3A_8 = arith.constant 0 : i32
    %add3A_9 = arith.addi %mul3A_2, %add3A_8 : i32
    %dma_start3A = arith.constant 0 : i32
    %dma_start3A_10 = tpu.memref_slice %arg10[%dma_start3A] : memref<512xi32, #tpu.memory_space<vmem>> -> memref<128xi32, #tpu.memory_space<vmem>>
    %dma_start3A_11 = arith.constant 0 : i32
    %dma_start3A_12 = arith.constant 0 : i32
    %dma_start3A_13 = tpu.memref_slice %arg5[%dma_start3A_11, %dma_start3A_12] : memref<503808x128xf32, #tpu.memory_space<hbm>> -> memref<503808x128xf32, #tpu.memory_space<hbm>>
    tpu.enqueue_indirect_dma source(%dma_start3A_13 : memref<503808x128xf32, #tpu.memory_space<hbm>>) target(%arg13 : memref<128x128xf32, #tpu.memory_space<vmem>>) offsets(%dma_start3A_10 : memref<128xi32, #tpu.memory_space<vmem>>) semaphore(%arg16 : memref<!tpu.dma_semaphore, #tpu.memory_space<semaphore_mem>>)
    %dma_start3A_14 = arith.constant 0 : i32
    %dma_start3A_15 = tpu.memref_slice %arg11[%dma_start3A_14] : memref<512xi32, #tpu.memory_space<vmem>> -> memref<128xi32, #tpu.memory_space<vmem>>
    %dma_start3A_16 = arith.constant 0 : i32
    %dma_start3A_17 = arith.constant 0 : i32
    %dma_start3A_18 = tpu.memref_slice %arg6[%dma_start3A_16, %dma_start3A_17] : memref<503808x128xf32, #tpu.memory_space<hbm>> -> memref<503808x128xf32, #tpu.memory_space<hbm>>
    tpu.enqueue_indirect_dma source(%dma_start3A_18 : memref<503808x128xf32, #tpu.memory_space<hbm>>) target(%arg14 : memref<128x128xf32, #tpu.memory_space<vmem>>) offsets(%dma_start3A_15 : memref<128xi32, #tpu.memory_space<vmem>>) semaphore(%arg16 : memref<!tpu.dma_semaphore, #tpu.memory_space<semaphore_mem>>)
    %dma_start3A_19 = arith.constant 0 : i32
    %dma_start3A_20 = tpu.memref_slice %arg12[%dma_start3A_19] : memref<512xi32, #tpu.memory_space<vmem>> -> memref<128xi32, #tpu.memory_space<vmem>>
    %dma_start3A_21 = arith.constant 0 : i32
    %dma_start3A_22 = arith.constant 0 : i32
    %dma_start3A_23 = tpu.memref_slice %arg6[%dma_start3A_21, %dma_start3A_22] : memref<503808x128xf32, #tpu.memory_space<hbm>> -> memref<503808x128xf32, #tpu.memory_space<hbm>>
    tpu.enqueue_indirect_dma source(%dma_start3A_23 : memref<503808x128xf32, #tpu.memory_space<hbm>>) target(%arg15 : memref<128x128xf32, #tpu.memory_space<vmem>>) offsets(%dma_start3A_20 : memref<128xi32, #tpu.memory_space<vmem>>) semaphore(%arg16 : memref<!tpu.dma_semaphore, #tpu.memory_space<semaphore_mem>>)
    %dma_wait3A = arith.constant 0 : i32
    %dma_wait3A_24 = tpu.memref_slice %arg10[%dma_wait3A] : memref<512xi32, #tpu.memory_space<vmem>> -> memref<128xi32, #tpu.memory_space<vmem>>
    %dma_wait3A_25 = arith.constant 0 : i32
    %dma_wait3A_26 = arith.constant 0 : i32
    %dma_wait3A_27 = tpu.memref_slice %arg5[%dma_wait3A_25, %dma_wait3A_26] : memref<503808x128xf32, #tpu.memory_space<hbm>> -> memref<503808x128xf32, #tpu.memory_space<hbm>>
    tpu.wait_indirect_dma semaphore(%arg16 : memref<!tpu.dma_semaphore, #tpu.memory_space<semaphore_mem>>) src(%dma_wait3A_27 : memref<503808x128xf32, #tpu.memory_space<hbm>>) dst(%arg13 : memref<128x128xf32, #tpu.memory_space<vmem>>)
    "tpu.region"() ({
      %run_scoped3A = tpu.sem_alloc : memref<!tpu.dma_semaphore, #tpu.memory_space<semaphore_mem>>
      %dma_start3A_134 = arith.constant 0 : i32
      %dma_start3A_135 = tpu.memref_slice %arg7[%add3A_9, %dma_start3A_134] : memref<16384x128xf32, #tpu.memory_space<hbm>> -> memref<128x128xf32, #tpu.memory_space<hbm>>
      %dma_start3A_136 = arith.constant 0 : i32
      %dma_start3A_137 = tpu.memref_slice %arg7[%add3A_9, %dma_start3A_136] : memref<16384x128xf32, #tpu.memory_space<hbm>> -> memref<128x128xf32, #tpu.memory_space<hbm>>
      tpu.enqueue_dma source(%arg13 : memref<128x128xf32, #tpu.memory_space<vmem>>) target(%dma_start3A_137 : memref<128x128xf32, #tpu.memory_space<hbm>>) target_semaphore(%run_scoped3A : memref<!tpu.dma_semaphore, #tpu.memory_space<semaphore_mem>>)
      %dma_wait3A_138 = arith.constant 0 : i32
      %dma_wait3A_139 = tpu.memref_slice %arg7[%add3A_9, %dma_wait3A_138] : memref<16384x128xf32, #tpu.memory_space<hbm>> -> memref<128x128xf32, #tpu.memory_space<hbm>>
      %dma_wait3A_140 = arith.constant 0 : i32
      %dma_wait3A_141 = tpu.memref_slice %arg7[%add3A_9, %dma_wait3A_140] : memref<16384x128xf32, #tpu.memory_space<hbm>> -> memref<128x128xf32, #tpu.memory_space<hbm>>
      tpu.wait_dma2 semaphore(%run_scoped3A : memref<!tpu.dma_semaphore, #tpu.memory_space<semaphore_mem>>) src(%arg13 : memref<128x128xf32, #tpu.memory_space<vmem>>) dst(%dma_wait3A_141 : memref<128x128xf32, #tpu.memory_space<hbm>>)
      tpu.yield
    }) : () -> ()
    %dma_wait3A_28 = arith.constant 0 : i32
    %dma_wait3A_29 = tpu.memref_slice %arg11[%dma_wait3A_28] : memref<512xi32, #tpu.memory_space<vmem>> -> memref<128xi32, #tpu.memory_space<vmem>>
    %dma_wait3A_30 = arith.constant 0 : i32
    %dma_wait3A_31 = arith.constant 0 : i32
    %dma_wait3A_32 = tpu.memref_slice %arg6[%dma_wait3A_30, %dma_wait3A_31] : memref<503808x128xf32, #tpu.memory_space<hbm>> -> memref<503808x128xf32, #tpu.memory_space<hbm>>
    tpu.wait_indirect_dma semaphore(%arg16 : memref<!tpu.dma_semaphore, #tpu.memory_space<semaphore_mem>>) src(%dma_wait3A_32 : memref<503808x128xf32, #tpu.memory_space<hbm>>) dst(%arg14 : memref<128x128xf32, #tpu.memory_space<vmem>>)
    "tpu.region"() ({
      %run_scoped3A = tpu.sem_alloc : memref<!tpu.dma_semaphore, #tpu.memory_space<semaphore_mem>>
      %dma_start3A_134 = arith.constant 0 : i32
      %dma_start3A_135 = tpu.memref_slice %arg8[%add3A_9, %dma_start3A_134] : memref<16384x128xf32, #tpu.memory_space<hbm>> -> memref<128x128xf32, #tpu.memory_space<hbm>>
      %dma_start3A_136 = arith.constant 0 : i32
      %dma_start3A_137 = tpu.memref_slice %arg8[%add3A_9, %dma_start3A_136] : memref<16384x128xf32, #tpu.memory_space<hbm>> -> memref<128x128xf32, #tpu.memory_space<hbm>>
      tpu.enqueue_dma source(%arg14 : memref<128x128xf32, #tpu.memory_space<vmem>>) target(%dma_start3A_137 : memref<128x128xf32, #tpu.memory_space<hbm>>) target_semaphore(%run_scoped3A : memref<!tpu.dma_semaphore, #tpu.memory_space<semaphore_mem>>)
      %dma_wait3A_138 = arith.constant 0 : i32
      %dma_wait3A_139 = tpu.memref_slice %arg8[%add3A_9, %dma_wait3A_138] : memref<16384x128xf32, #tpu.memory_space<hbm>> -> memref<128x128xf32, #tpu.memory_space<hbm>>
      %dma_wait3A_140 = arith.constant 0 : i32
      %dma_wait3A_141 = tpu.memref_slice %arg8[%add3A_9, %dma_wait3A_140] : memref<16384x128xf32, #tpu.memory_space<hbm>> -> memref<128x128xf32, #tpu.memory_space<hbm>>
      tpu.wait_dma2 semaphore(%run_scoped3A : memref<!tpu.dma_semaphore, #tpu.memory_space<semaphore_mem>>) src(%arg14 : memref<128x128xf32, #tpu.memory_space<vmem>>) dst(%dma_wait3A_141 : memref<128x128xf32, #tpu.memory_space<hbm>>)
      tpu.yield
    }) : () -> ()
    %dma_wait3A_33 = arith.constant 0 : i32
    %dma_wait3A_34 = tpu.memref_slice %arg12[%dma_wait3A_33] : memref<512xi32, #tpu.memory_space<vmem>> -> memref<128xi32, #tpu.memory_space<vmem>>
    %dma_wait3A_35 = arith.constant 0 : i32
    %dma_wait3A_36 = arith.constant 0 : i32
    %dma_wait3A_37 = tpu.memref_slice %arg6[%dma_wait3A_35, %dma_wait3A_36] : memref<503808x128xf32, #tpu.memory_space<hbm>> -> memref<503808x128xf32, #tpu.memory_space<hbm>>
    tpu.wait_indirect_dma semaphore(%arg16 : memref<!tpu.dma_semaphore, #tpu.memory_space<semaphore_mem>>) src(%dma_wait3A_37 : memref<503808x128xf32, #tpu.memory_space<hbm>>) dst(%arg15 : memref<128x128xf32, #tpu.memory_space<vmem>>)
    "tpu.region"() ({
      %run_scoped3A = tpu.sem_alloc : memref<!tpu.dma_semaphore, #tpu.memory_space<semaphore_mem>>
      %dma_start3A_134 = arith.constant 0 : i32
      %dma_start3A_135 = tpu.memref_slice %arg9[%add3A_9, %dma_start3A_134] : memref<16384x128xf32, #tpu.memory_space<hbm>> -> memref<128x128xf32, #tpu.memory_space<hbm>>
      %dma_start3A_136 = arith.constant 0 : i32
      %dma_start3A_137 = tpu.memref_slice %arg9[%add3A_9, %dma_start3A_136] : memref<16384x128xf32, #tpu.memory_space<hbm>> -> memref<128x128xf32, #tpu.memory_space<hbm>>
      tpu.enqueue_dma source(%arg15 : memref<128x128xf32, #tpu.memory_space<vmem>>) target(%dma_start3A_137 : memref<128x128xf32, #tpu.memory_space<hbm>>) target_semaphore(%run_scoped3A : memref<!tpu.dma_semaphore, #tpu.memory_space<semaphore_mem>>)
      %dma_wait3A_138 = arith.constant 0 : i32
      %dma_wait3A_139 = tpu.memref_slice %arg9[%add3A_9, %dma_wait3A_138] : memref<16384x128xf32, #tpu.memory_space<hbm>> -> memref<128x128xf32, #tpu.memory_space<hbm>>
      %dma_wait3A_140 = arith.constant 0 : i32
      %dma_wait3A_141 = tpu.memref_slice %arg9[%add3A_9, %dma_wait3A_140] : memref<16384x128xf32, #tpu.memory_space<hbm>> -> memref<128x128xf32, #tpu.memory_space<hbm>>
      tpu.wait_dma2 semaphore(%run_scoped3A : memref<!tpu.dma_semaphore, #tpu.memory_space<semaphore_mem>>) src(%arg15 : memref<128x128xf32, #tpu.memory_space<vmem>>) dst(%dma_wait3A_141 : memref<128x128xf32, #tpu.memory_space<hbm>>)
      tpu.yield
    }) : () -> ()
    %add3A_38 = arith.constant 128 : i32
    %add3A_39 = arith.addi %mul3A_2, %add3A_38 : i32
    %dma_start3A_40 = arith.constant 128 : i32
    %dma_start3A_41 = tpu.memref_slice %arg10[%dma_start3A_40] : memref<512xi32, #tpu.memory_space<vmem>> -> memref<128xi32, #tpu.memory_space<vmem>>
    %dma_start3A_42 = arith.constant 0 : i32
    %dma_start3A_43 = arith.constant 0 : i32
    %dma_start3A_44 = tpu.memref_slice %arg5[%dma_start3A_42, %dma_start3A_43] : memref<503808x128xf32, #tpu.memory_space<hbm>> -> memref<503808x128xf32, #tpu.memory_space<hbm>>
    tpu.enqueue_indirect_dma source(%dma_start3A_44 : memref<503808x128xf32, #tpu.memory_space<hbm>>) target(%arg13 : memref<128x128xf32, #tpu.memory_space<vmem>>) offsets(%dma_start3A_41 : memref<128xi32, #tpu.memory_space<vmem>>) semaphore(%arg16 : memref<!tpu.dma_semaphore, #tpu.memory_space<semaphore_mem>>)
    %dma_start3A_45 = arith.constant 128 : i32
    %dma_start3A_46 = tpu.memref_slice %arg11[%dma_start3A_45] : memref<512xi32, #tpu.memory_space<vmem>> -> memref<128xi32, #tpu.memory_space<vmem>>
    %dma_start3A_47 = arith.constant 0 : i32
    %dma_start3A_48 = arith.constant 0 : i32
    %dma_start3A_49 = tpu.memref_slice %arg6[%dma_start3A_47, %dma_start3A_48] : memref<503808x128xf32, #tpu.memory_space<hbm>> -> memref<503808x128xf32, #tpu.memory_space<hbm>>
    tpu.enqueue_indirect_dma source(%dma_start3A_49 : memref<503808x128xf32, #tpu.memory_space<hbm>>) target(%arg14 : memref<128x128xf32, #tpu.memory_space<vmem>>) offsets(%dma_start3A_46 : memref<128xi32, #tpu.memory_space<vmem>>) semaphore(%arg16 : memref<!tpu.dma_semaphore, #tpu.memory_space<semaphore_mem>>)
    %dma_start3A_50 = arith.constant 128 : i32
    %dma_start3A_51 = tpu.memref_slice %arg12[%dma_start3A_50] : memref<512xi32, #tpu.memory_space<vmem>> -> memref<128xi32, #tpu.memory_space<vmem>>
    %dma_start3A_52 = arith.constant 0 : i32
    %dma_start3A_53 = arith.constant 0 : i32
    %dma_start3A_54 = tpu.memref_slice %arg6[%dma_start3A_52, %dma_start3A_53] : memref<503808x128xf32, #tpu.memory_space<hbm>> -> memref<503808x128xf32, #tpu.memory_space<hbm>>
    tpu.enqueue_indirect_dma source(%dma_start3A_54 : memref<503808x128xf32, #tpu.memory_space<hbm>>) target(%arg15 : memref<128x128xf32, #tpu.memory_space<vmem>>) offsets(%dma_start3A_51 : memref<128xi32, #tpu.memory_space<vmem>>) semaphore(%arg16 : memref<!tpu.dma_semaphore, #tpu.memory_space<semaphore_mem>>)
    %dma_wait3A_55 = arith.constant 128 : i32
    %dma_wait3A_56 = tpu.memref_slice %arg10[%dma_wait3A_55] : memref<512xi32, #tpu.memory_space<vmem>> -> memref<128xi32, #tpu.memory_space<vmem>>
    %dma_wait3A_57 = arith.constant 0 : i32
    %dma_wait3A_58 = arith.constant 0 : i32
    %dma_wait3A_59 = tpu.memref_slice %arg5[%dma_wait3A_57, %dma_wait3A_58] : memref<503808x128xf32, #tpu.memory_space<hbm>> -> memref<503808x128xf32, #tpu.memory_space<hbm>>
    tpu.wait_indirect_dma semaphore(%arg16 : memref<!tpu.dma_semaphore, #tpu.memory_space<semaphore_mem>>) src(%dma_wait3A_59 : memref<503808x128xf32, #tpu.memory_space<hbm>>) dst(%arg13 : memref<128x128xf32, #tpu.memory_space<vmem>>)
    "tpu.region"() ({
      %run_scoped3A = tpu.sem_alloc : memref<!tpu.dma_semaphore, #tpu.memory_space<semaphore_mem>>
      %dma_start3A_134 = arith.constant 0 : i32
      %dma_start3A_135 = tpu.memref_slice %arg7[%add3A_39, %dma_start3A_134] : memref<16384x128xf32, #tpu.memory_space<hbm>> -> memref<128x128xf32, #tpu.memory_space<hbm>>
      %dma_start3A_136 = arith.constant 0 : i32
      %dma_start3A_137 = tpu.memref_slice %arg7[%add3A_39, %dma_start3A_136] : memref<16384x128xf32, #tpu.memory_space<hbm>> -> memref<128x128xf32, #tpu.memory_space<hbm>>
      tpu.enqueue_dma source(%arg13 : memref<128x128xf32, #tpu.memory_space<vmem>>) target(%dma_start3A_137 : memref<128x128xf32, #tpu.memory_space<hbm>>) target_semaphore(%run_scoped3A : memref<!tpu.dma_semaphore, #tpu.memory_space<semaphore_mem>>)
      %dma_wait3A_138 = arith.constant 0 : i32
      %dma_wait3A_139 = tpu.memref_slice %arg7[%add3A_39, %dma_wait3A_138] : memref<16384x128xf32, #tpu.memory_space<hbm>> -> memref<128x128xf32, #tpu.memory_space<hbm>>
      %dma_wait3A_140 = arith.constant 0 : i32
      %dma_wait3A_141 = tpu.memref_slice %arg7[%add3A_39, %dma_wait3A_140] : memref<16384x128xf32, #tpu.memory_space<hbm>> -> memref<128x128xf32, #tpu.memory_space<hbm>>
      tpu.wait_dma2 semaphore(%run_scoped3A : memref<!tpu.dma_semaphore, #tpu.memory_space<semaphore_mem>>) src(%arg13 : memref<128x128xf32, #tpu.memory_space<vmem>>) dst(%dma_wait3A_141 : memref<128x128xf32, #tpu.memory_space<hbm>>)
      tpu.yield
    }) : () -> ()
    %dma_wait3A_60 = arith.constant 128 : i32
    %dma_wait3A_61 = tpu.memref_slice %arg11[%dma_wait3A_60] : memref<512xi32, #tpu.memory_space<vmem>> -> memref<128xi32, #tpu.memory_space<vmem>>
    %dma_wait3A_62 = arith.constant 0 : i32
    %dma_wait3A_63 = arith.constant 0 : i32
    %dma_wait3A_64 = tpu.memref_slice %arg6[%dma_wait3A_62, %dma_wait3A_63] : memref<503808x128xf32, #tpu.memory_space<hbm>> -> memref<503808x128xf32, #tpu.memory_space<hbm>>
    tpu.wait_indirect_dma semaphore(%arg16 : memref<!tpu.dma_semaphore, #tpu.memory_space<semaphore_mem>>) src(%dma_wait3A_64 : memref<503808x128xf32, #tpu.memory_space<hbm>>) dst(%arg14 : memref<128x128xf32, #tpu.memory_space<vmem>>)
    "tpu.region"() ({
      %run_scoped3A = tpu.sem_alloc : memref<!tpu.dma_semaphore, #tpu.memory_space<semaphore_mem>>
      %dma_start3A_134 = arith.constant 0 : i32
      %dma_start3A_135 = tpu.memref_slice %arg8[%add3A_39, %dma_start3A_134] : memref<16384x128xf32, #tpu.memory_space<hbm>> -> memref<128x128xf32, #tpu.memory_space<hbm>>
      %dma_start3A_136 = arith.constant 0 : i32
      %dma_start3A_137 = tpu.memref_slice %arg8[%add3A_39, %dma_start3A_136] : memref<16384x128xf32, #tpu.memory_space<hbm>> -> memref<128x128xf32, #tpu.memory_space<hbm>>
      tpu.enqueue_dma source(%arg14 : memref<128x128xf32, #tpu.memory_space<vmem>>) target(%dma_start3A_137 : memref<128x128xf32, #tpu.memory_space<hbm>>) target_semaphore(%run_scoped3A : memref<!tpu.dma_semaphore, #tpu.memory_space<semaphore_mem>>)
      %dma_wait3A_138 = arith.constant 0 : i32
      %dma_wait3A_139 = tpu.memref_slice %arg8[%add3A_39, %dma_wait3A_138] : memref<16384x128xf32, #tpu.memory_space<hbm>> -> memref<128x128xf32, #tpu.memory_space<hbm>>
      %dma_wait3A_140 = arith.constant 0 : i32
      %dma_wait3A_141 = tpu.memref_slice %arg8[%add3A_39, %dma_wait3A_140] : memref<16384x128xf32, #tpu.memory_space<hbm>> -> memref<128x128xf32, #tpu.memory_space<hbm>>
      tpu.wait_dma2 semaphore(%run_scoped3A : memref<!tpu.dma_semaphore, #tpu.memory_space<semaphore_mem>>) src(%arg14 : memref<128x128xf32, #tpu.memory_space<vmem>>) dst(%dma_wait3A_141 : memref<128x128xf32, #tpu.memory_space<hbm>>)
      tpu.yield
    }) : () -> ()
    %dma_wait3A_65 = arith.constant 128 : i32
    %dma_wait3A_66 = tpu.memref_slice %arg12[%dma_wait3A_65] : memref<512xi32, #tpu.memory_space<vmem>> -> memref<128xi32, #tpu.memory_space<vmem>>
    %dma_wait3A_67 = arith.constant 0 : i32
    %dma_wait3A_68 = arith.constant 0 : i32
    %dma_wait3A_69 = tpu.memref_slice %arg6[%dma_wait3A_67, %dma_wait3A_68] : memref<503808x128xf32, #tpu.memory_space<hbm>> -> memref<503808x128xf32, #tpu.memory_space<hbm>>
    tpu.wait_indirect_dma semaphore(%arg16 : memref<!tpu.dma_semaphore, #tpu.memory_space<semaphore_mem>>) src(%dma_wait3A_69 : memref<503808x128xf32, #tpu.memory_space<hbm>>) dst(%arg15 : memref<128x128xf32, #tpu.memory_space<vmem>>)
    "tpu.region"() ({
      %run_scoped3A = tpu.sem_alloc : memref<!tpu.dma_semaphore, #tpu.memory_space<semaphore_mem>>
      %dma_start3A_134 = arith.constant 0 : i32
      %dma_start3A_135 = tpu.memref_slice %arg9[%add3A_39, %dma_start3A_134] : memref<16384x128xf32, #tpu.memory_space<hbm>> -> memref<128x128xf32, #tpu.memory_space<hbm>>
      %dma_start3A_136 = arith.constant 0 : i32
      %dma_start3A_137 = tpu.memref_slice %arg9[%add3A_39, %dma_start3A_136] : memref<16384x128xf32, #tpu.memory_space<hbm>> -> memref<128x128xf32, #tpu.memory_space<hbm>>
      tpu.enqueue_dma source(%arg15 : memref<128x128xf32, #tpu.memory_space<vmem>>) target(%dma_start3A_137 : memref<128x128xf32, #tpu.memory_space<hbm>>) target_semaphore(%run_scoped3A : memref<!tpu.dma_semaphore, #tpu.memory_space<semaphore_mem>>)
      %dma_wait3A_138 = arith.constant 0 : i32
      %dma_wait3A_139 = tpu.memref_slice %arg9[%add3A_39, %dma_wait3A_138] : memref<16384x128xf32, #tpu.memory_space<hbm>> -> memref<128x128xf32, #tpu.memory_space<hbm>>
      %dma_wait3A_140 = arith.constant 0 : i32
      %dma_wait3A_141 = tpu.memref_slice %arg9[%add3A_39, %dma_wait3A_140] : memref<16384x128xf32, #tpu.memory_space<hbm>> -> memref<128x128xf32, #tpu.memory_space<hbm>>
      tpu.wait_dma2 semaphore(%run_scoped3A : memref<!tpu.dma_semaphore, #tpu.memory_space<semaphore_mem>>) src(%arg15 : memref<128x128xf32, #tpu.memory_space<vmem>>) dst(%dma_wait3A_141 : memref<128x128xf32, #tpu.memory_space<hbm>>)
      tpu.yield
    }) : () -> ()
    %add3A_70 = arith.constant 256 : i32
    %add3A_71 = arith.addi %mul3A_2, %add3A_70 : i32
    %dma_start3A_72 = arith.constant 256 : i32
    %dma_start3A_73 = tpu.memref_slice %arg10[%dma_start3A_72] : memref<512xi32, #tpu.memory_space<vmem>> -> memref<128xi32, #tpu.memory_space<vmem>>
    %dma_start3A_74 = arith.constant 0 : i32
    %dma_start3A_75 = arith.constant 0 : i32
    %dma_start3A_76 = tpu.memref_slice %arg5[%dma_start3A_74, %dma_start3A_75] : memref<503808x128xf32, #tpu.memory_space<hbm>> -> memref<503808x128xf32, #tpu.memory_space<hbm>>
    tpu.enqueue_indirect_dma source(%dma_start3A_76 : memref<503808x128xf32, #tpu.memory_space<hbm>>) target(%arg13 : memref<128x128xf32, #tpu.memory_space<vmem>>) offsets(%dma_start3A_73 : memref<128xi32, #tpu.memory_space<vmem>>) semaphore(%arg16 : memref<!tpu.dma_semaphore, #tpu.memory_space<semaphore_mem>>)
    %dma_start3A_77 = arith.constant 256 : i32
    %dma_start3A_78 = tpu.memref_slice %arg11[%dma_start3A_77] : memref<512xi32, #tpu.memory_space<vmem>> -> memref<128xi32, #tpu.memory_space<vmem>>
    %dma_start3A_79 = arith.constant 0 : i32
    %dma_start3A_80 = arith.constant 0 : i32
    %dma_start3A_81 = tpu.memref_slice %arg6[%dma_start3A_79, %dma_start3A_80] : memref<503808x128xf32, #tpu.memory_space<hbm>> -> memref<503808x128xf32, #tpu.memory_space<hbm>>
    tpu.enqueue_indirect_dma source(%dma_start3A_81 : memref<503808x128xf32, #tpu.memory_space<hbm>>) target(%arg14 : memref<128x128xf32, #tpu.memory_space<vmem>>) offsets(%dma_start3A_78 : memref<128xi32, #tpu.memory_space<vmem>>) semaphore(%arg16 : memref<!tpu.dma_semaphore, #tpu.memory_space<semaphore_mem>>)
    %dma_start3A_82 = arith.constant 256 : i32
    %dma_start3A_83 = tpu.memref_slice %arg12[%dma_start3A_82] : memref<512xi32, #tpu.memory_space<vmem>> -> memref<128xi32, #tpu.memory_space<vmem>>
    %dma_start3A_84 = arith.constant 0 : i32
    %dma_start3A_85 = arith.constant 0 : i32
    %dma_start3A_86 = tpu.memref_slice %arg6[%dma_start3A_84, %dma_start3A_85] : memref<503808x128xf32, #tpu.memory_space<hbm>> -> memref<503808x128xf32, #tpu.memory_space<hbm>>
    tpu.enqueue_indirect_dma source(%dma_start3A_86 : memref<503808x128xf32, #tpu.memory_space<hbm>>) target(%arg15 : memref<128x128xf32, #tpu.memory_space<vmem>>) offsets(%dma_start3A_83 : memref<128xi32, #tpu.memory_space<vmem>>) semaphore(%arg16 : memref<!tpu.dma_semaphore, #tpu.memory_space<semaphore_mem>>)
    %dma_wait3A_87 = arith.constant 256 : i32
    %dma_wait3A_88 = tpu.memref_slice %arg10[%dma_wait3A_87] : memref<512xi32, #tpu.memory_space<vmem>> -> memref<128xi32, #tpu.memory_space<vmem>>
    %dma_wait3A_89 = arith.constant 0 : i32
    %dma_wait3A_90 = arith.constant 0 : i32
    %dma_wait3A_91 = tpu.memref_slice %arg5[%dma_wait3A_89, %dma_wait3A_90] : memref<503808x128xf32, #tpu.memory_space<hbm>> -> memref<503808x128xf32, #tpu.memory_space<hbm>>
    tpu.wait_indirect_dma semaphore(%arg16 : memref<!tpu.dma_semaphore, #tpu.memory_space<semaphore_mem>>) src(%dma_wait3A_91 : memref<503808x128xf32, #tpu.memory_space<hbm>>) dst(%arg13 : memref<128x128xf32, #tpu.memory_space<vmem>>)
    "tpu.region"() ({
      %run_scoped3A = tpu.sem_alloc : memref<!tpu.dma_semaphore, #tpu.memory_space<semaphore_mem>>
      %dma_start3A_134 = arith.constant 0 : i32
      %dma_start3A_135 = tpu.memref_slice %arg7[%add3A_71, %dma_start3A_134] : memref<16384x128xf32, #tpu.memory_space<hbm>> -> memref<128x128xf32, #tpu.memory_space<hbm>>
      %dma_start3A_136 = arith.constant 0 : i32
      %dma_start3A_137 = tpu.memref_slice %arg7[%add3A_71, %dma_start3A_136] : memref<16384x128xf32, #tpu.memory_space<hbm>> -> memref<128x128xf32, #tpu.memory_space<hbm>>
      tpu.enqueue_dma source(%arg13 : memref<128x128xf32, #tpu.memory_space<vmem>>) target(%dma_start3A_137 : memref<128x128xf32, #tpu.memory_space<hbm>>) target_semaphore(%run_scoped3A : memref<!tpu.dma_semaphore, #tpu.memory_space<semaphore_mem>>)
      %dma_wait3A_138 = arith.constant 0 : i32
      %dma_wait3A_139 = tpu.memref_slice %arg7[%add3A_71, %dma_wait3A_138] : memref<16384x128xf32, #tpu.memory_space<hbm>> -> memref<128x128xf32, #tpu.memory_space<hbm>>
      %dma_wait3A_140 = arith.constant 0 : i32
      %dma_wait3A_141 = tpu.memref_slice %arg7[%add3A_71, %dma_wait3A_140] : memref<16384x128xf32, #tpu.memory_space<hbm>> -> memref<128x128xf32, #tpu.memory_space<hbm>>
      tpu.wait_dma2 semaphore(%run_scoped3A : memref<!tpu.dma_semaphore, #tpu.memory_space<semaphore_mem>>) src(%arg13 : memref<128x128xf32, #tpu.memory_space<vmem>>) dst(%dma_wait3A_141 : memref<128x128xf32, #tpu.memory_space<hbm>>)
      tpu.yield
    }) : () -> ()
    %dma_wait3A_92 = arith.constant 256 : i32
    %dma_wait3A_93 = tpu.memref_slice %arg11[%dma_wait3A_92] : memref<512xi32, #tpu.memory_space<vmem>> -> memref<128xi32, #tpu.memory_space<vmem>>
    %dma_wait3A_94 = arith.constant 0 : i32
    %dma_wait3A_95 = arith.constant 0 : i32
    %dma_wait3A_96 = tpu.memref_slice %arg6[%dma_wait3A_94, %dma_wait3A_95] : memref<503808x128xf32, #tpu.memory_space<hbm>> -> memref<503808x128xf32, #tpu.memory_space<hbm>>
    tpu.wait_indirect_dma semaphore(%arg16 : memref<!tpu.dma_semaphore, #tpu.memory_space<semaphore_mem>>) src(%dma_wait3A_96 : memref<503808x128xf32, #tpu.memory_space<hbm>>) dst(%arg14 : memref<128x128xf32, #tpu.memory_space<vmem>>)
    "tpu.region"() ({
      %run_scoped3A = tpu.sem_alloc : memref<!tpu.dma_semaphore, #tpu.memory_space<semaphore_mem>>
      %dma_start3A_134 = arith.constant 0 : i32
      %dma_start3A_135 = tpu.memref_slice %arg8[%add3A_71, %dma_start3A_134] : memref<16384x128xf32, #tpu.memory_space<hbm>> -> memref<128x128xf32, #tpu.memory_space<hbm>>
      %dma_start3A_136 = arith.constant 0 : i32
      %dma_start3A_137 = tpu.memref_slice %arg8[%add3A_71, %dma_start3A_136] : memref<16384x128xf32, #tpu.memory_space<hbm>> -> memref<128x128xf32, #tpu.memory_space<hbm>>
      tpu.enqueue_dma source(%arg14 : memref<128x128xf32, #tpu.memory_space<vmem>>) target(%dma_start3A_137 : memref<128x128xf32, #tpu.memory_space<hbm>>) target_semaphore(%run_scoped3A : memref<!tpu.dma_semaphore, #tpu.memory_space<semaphore_mem>>)
      %dma_wait3A_138 = arith.constant 0 : i32
      %dma_wait3A_139 = tpu.memref_slice %arg8[%add3A_71, %dma_wait3A_138] : memref<16384x128xf32, #tpu.memory_space<hbm>> -> memref<128x128xf32, #tpu.memory_space<hbm>>
      %dma_wait3A_140 = arith.constant 0 : i32
      %dma_wait3A_141 = tpu.memref_slice %arg8[%add3A_71, %dma_wait3A_140] : memref<16384x128xf32, #tpu.memory_space<hbm>> -> memref<128x128xf32, #tpu.memory_space<hbm>>
      tpu.wait_dma2 semaphore(%run_scoped3A : memref<!tpu.dma_semaphore, #tpu.memory_space<semaphore_mem>>) src(%arg14 : memref<128x128xf32, #tpu.memory_space<vmem>>) dst(%dma_wait3A_141 : memref<128x128xf32, #tpu.memory_space<hbm>>)
      tpu.yield
    }) : () -> ()
    %dma_wait3A_97 = arith.constant 256 : i32
    %dma_wait3A_98 = tpu.memref_slice %arg12[%dma_wait3A_97] : memref<512xi32, #tpu.memory_space<vmem>> -> memref<128xi32, #tpu.memory_space<vmem>>
    %dma_wait3A_99 = arith.constant 0 : i32
    %dma_wait3A_100 = arith.constant 0 : i32
    %dma_wait3A_101 = tpu.memref_slice %arg6[%dma_wait3A_99, %dma_wait3A_100] : memref<503808x128xf32, #tpu.memory_space<hbm>> -> memref<503808x128xf32, #tpu.memory_space<hbm>>
    tpu.wait_indirect_dma semaphore(%arg16 : memref<!tpu.dma_semaphore, #tpu.memory_space<semaphore_mem>>) src(%dma_wait3A_101 : memref<503808x128xf32, #tpu.memory_space<hbm>>) dst(%arg15 : memref<128x128xf32, #tpu.memory_space<vmem>>)
    "tpu.region"() ({
      %run_scoped3A = tpu.sem_alloc : memref<!tpu.dma_semaphore, #tpu.memory_space<semaphore_mem>>
      %dma_start3A_134 = arith.constant 0 : i32
      %dma_start3A_135 = tpu.memref_slice %arg9[%add3A_71, %dma_start3A_134] : memref<16384x128xf32, #tpu.memory_space<hbm>> -> memref<128x128xf32, #tpu.memory_space<hbm>>
      %dma_start3A_136 = arith.constant 0 : i32
      %dma_start3A_137 = tpu.memref_slice %arg9[%add3A_71, %dma_start3A_136] : memref<16384x128xf32, #tpu.memory_space<hbm>> -> memref<128x128xf32, #tpu.memory_space<hbm>>
      tpu.enqueue_dma source(%arg15 : memref<128x128xf32, #tpu.memory_space<vmem>>) target(%dma_start3A_137 : memref<128x128xf32, #tpu.memory_space<hbm>>) target_semaphore(%run_scoped3A : memref<!tpu.dma_semaphore, #tpu.memory_space<semaphore_mem>>)
      %dma_wait3A_138 = arith.constant 0 : i32
      %dma_wait3A_139 = tpu.memref_slice %arg9[%add3A_71, %dma_wait3A_138] : memref<16384x128xf32, #tpu.memory_space<hbm>> -> memref<128x128xf32, #tpu.memory_space<hbm>>
      %dma_wait3A_140 = arith.constant 0 : i32
      %dma_wait3A_141 = tpu.memref_slice %arg9[%add3A_71, %dma_wait3A_140] : memref<16384x128xf32, #tpu.memory_space<hbm>> -> memref<128x128xf32, #tpu.memory_space<hbm>>
      tpu.wait_dma2 semaphore(%run_scoped3A : memref<!tpu.dma_semaphore, #tpu.memory_space<semaphore_mem>>) src(%arg15 : memref<128x128xf32, #tpu.memory_space<vmem>>) dst(%dma_wait3A_141 : memref<128x128xf32, #tpu.memory_space<hbm>>)
      tpu.yield
    }) : () -> ()
    %add3A_102 = arith.constant 384 : i32
    %add3A_103 = arith.addi %mul3A_2, %add3A_102 : i32
    %dma_start3A_104 = arith.constant 384 : i32
    %dma_start3A_105 = tpu.memref_slice %arg10[%dma_start3A_104] : memref<512xi32, #tpu.memory_space<vmem>> -> memref<128xi32, #tpu.memory_space<vmem>>
    %dma_start3A_106 = arith.constant 0 : i32
    %dma_start3A_107 = arith.constant 0 : i32
    %dma_start3A_108 = tpu.memref_slice %arg5[%dma_start3A_106, %dma_start3A_107] : memref<503808x128xf32, #tpu.memory_space<hbm>> -> memref<503808x128xf32, #tpu.memory_space<hbm>>
    tpu.enqueue_indirect_dma source(%dma_start3A_108 : memref<503808x128xf32, #tpu.memory_space<hbm>>) target(%arg13 : memref<128x128xf32, #tpu.memory_space<vmem>>) offsets(%dma_start3A_105 : memref<128xi32, #tpu.memory_space<vmem>>) semaphore(%arg16 : memref<!tpu.dma_semaphore, #tpu.memory_space<semaphore_mem>>)
    %dma_start3A_109 = arith.constant 384 : i32
    %dma_start3A_110 = tpu.memref_slice %arg11[%dma_start3A_109] : memref<512xi32, #tpu.memory_space<vmem>> -> memref<128xi32, #tpu.memory_space<vmem>>
    %dma_start3A_111 = arith.constant 0 : i32
    %dma_start3A_112 = arith.constant 0 : i32
    %dma_start3A_113 = tpu.memref_slice %arg6[%dma_start3A_111, %dma_start3A_112] : memref<503808x128xf32, #tpu.memory_space<hbm>> -> memref<503808x128xf32, #tpu.memory_space<hbm>>
    tpu.enqueue_indirect_dma source(%dma_start3A_113 : memref<503808x128xf32, #tpu.memory_space<hbm>>) target(%arg14 : memref<128x128xf32, #tpu.memory_space<vmem>>) offsets(%dma_start3A_110 : memref<128xi32, #tpu.memory_space<vmem>>) semaphore(%arg16 : memref<!tpu.dma_semaphore, #tpu.memory_space<semaphore_mem>>)
    %dma_start3A_114 = arith.constant 384 : i32
    %dma_start3A_115 = tpu.memref_slice %arg12[%dma_start3A_114] : memref<512xi32, #tpu.memory_space<vmem>> -> memref<128xi32, #tpu.memory_space<vmem>>
    %dma_start3A_116 = arith.constant 0 : i32
    %dma_start3A_117 = arith.constant 0 : i32
    %dma_start3A_118 = tpu.memref_slice %arg6[%dma_start3A_116, %dma_start3A_117] : memref<503808x128xf32, #tpu.memory_space<hbm>> -> memref<503808x128xf32, #tpu.memory_space<hbm>>
    tpu.enqueue_indirect_dma source(%dma_start3A_118 : memref<503808x128xf32, #tpu.memory_space<hbm>>) target(%arg15 : memref<128x128xf32, #tpu.memory_space<vmem>>) offsets(%dma_start3A_115 : memref<128xi32, #tpu.memory_space<vmem>>) semaphore(%arg16 : memref<!tpu.dma_semaphore, #tpu.memory_space<semaphore_mem>>)
    %dma_wait3A_119 = arith.constant 384 : i32
    %dma_wait3A_120 = tpu.memref_slice %arg10[%dma_wait3A_119] : memref<512xi32, #tpu.memory_space<vmem>> -> memref<128xi32, #tpu.memory_space<vmem>>
    %dma_wait3A_121 = arith.constant 0 : i32
    %dma_wait3A_122 = arith.constant 0 : i32
    %dma_wait3A_123 = tpu.memref_slice %arg5[%dma_wait3A_121, %dma_wait3A_122] : memref<503808x128xf32, #tpu.memory_space<hbm>> -> memref<503808x128xf32, #tpu.memory_space<hbm>>
    tpu.wait_indirect_dma semaphore(%arg16 : memref<!tpu.dma_semaphore, #tpu.memory_space<semaphore_mem>>) src(%dma_wait3A_123 : memref<503808x128xf32, #tpu.memory_space<hbm>>) dst(%arg13 : memref<128x128xf32, #tpu.memory_space<vmem>>)
    "tpu.region"() ({
      %run_scoped3A = tpu.sem_alloc : memref<!tpu.dma_semaphore, #tpu.memory_space<semaphore_mem>>
      %dma_start3A_134 = arith.constant 0 : i32
      %dma_start3A_135 = tpu.memref_slice %arg7[%add3A_103, %dma_start3A_134] : memref<16384x128xf32, #tpu.memory_space<hbm>> -> memref<128x128xf32, #tpu.memory_space<hbm>>
      %dma_start3A_136 = arith.constant 0 : i32
      %dma_start3A_137 = tpu.memref_slice %arg7[%add3A_103, %dma_start3A_136] : memref<16384x128xf32, #tpu.memory_space<hbm>> -> memref<128x128xf32, #tpu.memory_space<hbm>>
      tpu.enqueue_dma source(%arg13 : memref<128x128xf32, #tpu.memory_space<vmem>>) target(%dma_start3A_137 : memref<128x128xf32, #tpu.memory_space<hbm>>) target_semaphore(%run_scoped3A : memref<!tpu.dma_semaphore, #tpu.memory_space<semaphore_mem>>)
      %dma_wait3A_138 = arith.constant 0 : i32
      %dma_wait3A_139 = tpu.memref_slice %arg7[%add3A_103, %dma_wait3A_138] : memref<16384x128xf32, #tpu.memory_space<hbm>> -> memref<128x128xf32, #tpu.memory_space<hbm>>
      %dma_wait3A_140 = arith.constant 0 : i32
      %dma_wait3A_141 = tpu.memref_slice %arg7[%add3A_103, %dma_wait3A_140] : memref<16384x128xf32, #tpu.memory_space<hbm>> -> memref<128x128xf32, #tpu.memory_space<hbm>>
      tpu.wait_dma2 semaphore(%run_scoped3A : memref<!tpu.dma_semaphore, #tpu.memory_space<semaphore_mem>>) src(%arg13 : memref<128x128xf32, #tpu.memory_space<vmem>>) dst(%dma_wait3A_141 : memref<128x128xf32, #tpu.memory_space<hbm>>)
      tpu.yield
    }) : () -> ()
    %dma_wait3A_124 = arith.constant 384 : i32
    %dma_wait3A_125 = tpu.memref_slice %arg11[%dma_wait3A_124] : memref<512xi32, #tpu.memory_space<vmem>> -> memref<128xi32, #tpu.memory_space<vmem>>
    %dma_wait3A_126 = arith.constant 0 : i32
    %dma_wait3A_127 = arith.constant 0 : i32
    %dma_wait3A_128 = tpu.memref_slice %arg6[%dma_wait3A_126, %dma_wait3A_127] : memref<503808x128xf32, #tpu.memory_space<hbm>> -> memref<503808x128xf32, #tpu.memory_space<hbm>>
    tpu.wait_indirect_dma semaphore(%arg16 : memref<!tpu.dma_semaphore, #tpu.memory_space<semaphore_mem>>) src(%dma_wait3A_128 : memref<503808x128xf32, #tpu.memory_space<hbm>>) dst(%arg14 : memref<128x128xf32, #tpu.memory_space<vmem>>)
    "tpu.region"() ({
      %run_scoped3A = tpu.sem_alloc : memref<!tpu.dma_semaphore, #tpu.memory_space<semaphore_mem>>
      %dma_start3A_134 = arith.constant 0 : i32
      %dma_start3A_135 = tpu.memref_slice %arg8[%add3A_103, %dma_start3A_134] : memref<16384x128xf32, #tpu.memory_space<hbm>> -> memref<128x128xf32, #tpu.memory_space<hbm>>
      %dma_start3A_136 = arith.constant 0 : i32
      %dma_start3A_137 = tpu.memref_slice %arg8[%add3A_103, %dma_start3A_136] : memref<16384x128xf32, #tpu.memory_space<hbm>> -> memref<128x128xf32, #tpu.memory_space<hbm>>
      tpu.enqueue_dma source(%arg14 : memref<128x128xf32, #tpu.memory_space<vmem>>) target(%dma_start3A_137 : memref<128x128xf32, #tpu.memory_space<hbm>>) target_semaphore(%run_scoped3A : memref<!tpu.dma_semaphore, #tpu.memory_space<semaphore_mem>>)
      %dma_wait3A_138 = arith.constant 0 : i32
      %dma_wait3A_139 = tpu.memref_slice %arg8[%add3A_103, %dma_wait3A_138] : memref<16384x128xf32, #tpu.memory_space<hbm>> -> memref<128x128xf32, #tpu.memory_space<hbm>>
      %dma_wait3A_140 = arith.constant 0 : i32
      %dma_wait3A_141 = tpu.memref_slice %arg8[%add3A_103, %dma_wait3A_140] : memref<16384x128xf32, #tpu.memory_space<hbm>> -> memref<128x128xf32, #tpu.memory_space<hbm>>
      tpu.wait_dma2 semaphore(%run_scoped3A : memref<!tpu.dma_semaphore, #tpu.memory_space<semaphore_mem>>) src(%arg14 : memref<128x128xf32, #tpu.memory_space<vmem>>) dst(%dma_wait3A_141 : memref<128x128xf32, #tpu.memory_space<hbm>>)
      tpu.yield
    }) : () -> ()
    %dma_wait3A_129 = arith.constant 384 : i32
    %dma_wait3A_130 = tpu.memref_slice %arg12[%dma_wait3A_129] : memref<512xi32, #tpu.memory_space<vmem>> -> memref<128xi32, #tpu.memory_space<vmem>>
    %dma_wait3A_131 = arith.constant 0 : i32
    %dma_wait3A_132 = arith.constant 0 : i32
    %dma_wait3A_133 = tpu.memref_slice %arg6[%dma_wait3A_131, %dma_wait3A_132] : memref<503808x128xf32, #tpu.memory_space<hbm>> -> memref<503808x128xf32, #tpu.memory_space<hbm>>
    tpu.wait_indirect_dma semaphore(%arg16 : memref<!tpu.dma_semaphore, #tpu.memory_space<semaphore_mem>>) src(%dma_wait3A_133 : memref<503808x128xf32, #tpu.memory_space<hbm>>) dst(%arg15 : memref<128x128xf32, #tpu.memory_space<vmem>>)
    "tpu.region"() ({
      %run_scoped3A = tpu.sem_alloc : memref<!tpu.dma_semaphore, #tpu.memory_space<semaphore_mem>>
      %dma_start3A_134 = arith.constant 0 : i32
      %dma_start3A_135 = tpu.memref_slice %arg9[%add3A_103, %dma_start3A_134] : memref<16384x128xf32, #tpu.memory_space<hbm>> -> memref<128x128xf32, #tpu.memory_space<hbm>>
      %dma_start3A_136 = arith.constant 0 : i32
      %dma_start3A_137 = tpu.memref_slice %arg9[%add3A_103, %dma_start3A_136] : memref<16384x128xf32, #tpu.memory_space<hbm>> -> memref<128x128xf32, #tpu.memory_space<hbm>>
      tpu.enqueue_dma source(%arg15 : memref<128x128xf32, #tpu.memory_space<vmem>>) target(%dma_start3A_137 : memref<128x128xf32, #tpu.memory_space<hbm>>) target_semaphore(%run_scoped3A : memref<!tpu.dma_semaphore, #tpu.memory_space<semaphore_mem>>)
      %dma_wait3A_138 = arith.constant 0 : i32
      %dma_wait3A_139 = tpu.memref_slice %arg9[%add3A_103, %dma_wait3A_138] : memref<16384x128xf32, #tpu.memory_space<hbm>> -> memref<128x128xf32, #tpu.memory_space<hbm>>
      %dma_wait3A_140 = arith.constant 0 : i32
      %dma_wait3A_141 = tpu.memref_slice %arg9[%add3A_103, %dma_wait3A_140] : memref<16384x128xf32, #tpu.memory_space<hbm>> -> memref<128x128xf32, #tpu.memory_space<hbm>>
      tpu.wait_dma2 semaphore(%run_scoped3A : memref<!tpu.dma_semaphore, #tpu.memory_space<semaphore_mem>>) src(%arg15 : memref<128x128xf32, #tpu.memory_space<vmem>>) dst(%dma_wait3A_141 : memref<128x128xf32, #tpu.memory_space<hbm>>)
      tpu.yield
    }) : () -> ()
    return
  }
}

module attributes {stable_mosaic.version = 14 : i64} {
  func.func @_transpose_body(%arg0: i32, %arg1: memref<64x8192xf32, #tpu.memory_space<vmem>>, %arg2: memref<64x8192xf32, #tpu.memory_space<vmem>>, %arg3: memref<4096x128xf32, #tpu.memory_space<vmem>>, %arg4: memref<4096x128xf32, #tpu.memory_space<vmem>>) attributes {dimension_semantics = [#tpu.dimension_semantics<arbitrary>], iteration_bounds = array<i64: 123>, scalar_prefetch = 0 : i64, scratch_operands = 0 : i64, tpu.core_type = #tpu.core_type<tc>, window_params = [{transform_indices = @transform_0, window_bounds = array<i64: 64, 8192>}, {transform_indices = @transform_1, window_bounds = array<i64: 64, 8192>}, {transform_indices = @transform_2, window_bounds = array<i64: 4096, 128>}, {transform_indices = @transform_3, window_bounds = array<i64: 4096, 128>}]} {
    %get3A = arith.constant 0 : index
    %get3A_0 = arith.constant 0 : index
    %get3A_1 = vector.load %arg1[%get3A, %get3A_0] : memref<64x8192xf32, #tpu.memory_space<vmem>>, vector<64x8192xf32>
    %transpose3A = tpu.transpose %get3A_1, [1, 0] : vector<64x8192xf32> -> vector<8192x64xf32>
    %get3A_2 = arith.constant 0 : index
    %get3A_3 = arith.constant 0 : index
    %get3A_4 = vector.load %arg2[%get3A_2, %get3A_3] : memref<64x8192xf32, #tpu.memory_space<vmem>>, vector<64x8192xf32>
    %transpose3A_5 = tpu.transpose %get3A_4, [1, 0] : vector<64x8192xf32> -> vector<8192x64xf32>
    %slice3A = vector.extract_strided_slice %transpose3A {offsets = [0, 0], sizes = [4096, 64], strides = [1, 1]} : vector<8192x64xf32> to vector<4096x64xf32>
    %swap3A = arith.constant 0 : index
    %swap3A_6 = arith.constant 0 : index
    %swap3A_7 = vector.load %arg3[%swap3A, %swap3A_6] : memref<4096x128xf32, #tpu.memory_space<vmem>>, vector<4096x64xf32>
    tpu.vector_store %arg3[%swap3A, %swap3A_6], %slice3A {strides = array<i32>} : memref<4096x128xf32, #tpu.memory_space<vmem>>, vector<4096x64xf32>,
    %slice3A_8 = vector.extract_strided_slice %transpose3A_5 {offsets = [0, 0], sizes = [4096, 64], strides = [1, 1]} : vector<8192x64xf32> to vector<4096x64xf32>
    %swap3A_9 = arith.constant 0 : index
    %swap3A_10 = arith.constant 0 : index
    %swap3A_11 = vector.load %arg4[%swap3A_9, %swap3A_10] : memref<4096x128xf32, #tpu.memory_space<vmem>>, vector<4096x64xf32>
    tpu.vector_store %arg4[%swap3A_9, %swap3A_10], %slice3A_8 {strides = array<i32>} : memref<4096x128xf32, #tpu.memory_space<vmem>>, vector<4096x64xf32>,
    %slice3A_12 = vector.extract_strided_slice %transpose3A {offsets = [4096, 0], sizes = [4096, 64], strides = [1, 1]} : vector<8192x64xf32> to vector<4096x64xf32>
    %swap3A_13 = arith.constant 0 : index
    %swap3A_14 = arith.constant 64 : index
    %swap3A_15 = vector.load %arg3[%swap3A_13, %swap3A_14] : memref<4096x128xf32, #tpu.memory_space<vmem>>, vector<4096x64xf32>
    tpu.vector_store %arg3[%swap3A_13, %swap3A_14], %slice3A_12 {strides = array<i32>} : memref<4096x128xf32, #tpu.memory_space<vmem>>, vector<4096x64xf32>,
    %slice3A_16 = vector.extract_strided_slice %transpose3A_5 {offsets = [4096, 0], sizes = [4096, 64], strides = [1, 1]} : vector<8192x64xf32> to vector<4096x64xf32>
    %swap3A_17 = arith.constant 0 : index
    %swap3A_18 = arith.constant 64 : index
    %swap3A_19 = vector.load %arg4[%swap3A_17, %swap3A_18] : memref<4096x128xf32, #tpu.memory_space<vmem>>, vector<4096x64xf32>
    tpu.vector_store %arg4[%swap3A_17, %swap3A_18], %slice3A_16 {strides = array<i32>} : memref<4096x128xf32, #tpu.memory_space<vmem>>, vector<4096x64xf32>,
    return
  }
  func.func @transform_0(%arg0: i32) -> (i32, i32) {
    %c0_i32 = arith.constant 0 : i32
    %c0_i32_0 = arith.constant 0 : i32
    return %c0_i32, %arg0 : i32, i32
  }
  func.func @transform_1(%arg0: i32) -> (i32, i32) {
    %c0_i32 = arith.constant 0 : i32
    %c0_i32_0 = arith.constant 0 : i32
    return %c0_i32, %arg0 : i32, i32
  }
  func.func @transform_2(%arg0: i32) -> (i32, i32) {
    %c0_i32 = arith.constant 0 : i32
    %c0_i32_0 = arith.constant 0 : i32
    return %arg0, %c0_i32 : i32, i32
  }
  func.func @transform_3(%arg0: i32) -> (i32, i32) {
    %c0_i32 = arith.constant 0 : i32
    %c0_i32_0 = arith.constant 0 : i32
    return %arg0, %c0_i32 : i32, i32
  }
}

</mosaic_0001>

<sc_bundles>
// kernel: kernel.4.cloned.1.call-start
scs
__scs_entry_jumppad:
0x0: {  	(pc) =	sbr.rel $0x88, $3  }
0x1: {  	(tag) =	ssettag $0x0;
	lr =	simm.s32 $0x1  }
0x2: {  	[smem:$0x3F9C] =	sst lr;
	_ =	strace $0xD0000000  }
0x3: {  	_ = 	snop  }
0x4: {  	_ = 	snop  }
0x5: {  	_ = 	snop  }
0x6: {  	_ = 	snop  }
0x7: {  	_ = 	snop  }
__scs_overlays_trampoline_lowered:
0x8: {  	[smem:$0x3FAB] =	sst s0  }
0x9: {  	[smem:$0x3FAC] =	sst s1  }
0xa: {  	[smem:$0x3FAD] =	sst s2  }
0xb: {  	[smem:$0x3FAE] =	sst s3  }
0xc: {  	[smem:$0x3FAF] =	sst s4  }
0xd: {  	[smem:$0x3FB0] =	sst s5  }
0xe: {  	[smem:$0x3FB1] =	sst s6  }
0xf: {  	[smem:$0x3FB2] =	sst s7  }
0x10: {  	[smem:$0x3FB3] =	sst s8  }
0x11: {  	[smem:$0x3FB4] =	sst s9;
	s0 =	simm.s32 @!p0 $0x0  }
0x12: {  	s1 =	sld [smem:$0x3F9A];
	s0 =	simm.s32 @p0 $0x1  }
0x13: {  	[smem:$0x3FB5] =	sst s0;
	s0 =	simm.s32 @!p1 $0x0  }
0x14: {  	s2 =	sld [smem:$0x3F99];
	s0 =	simm.s32 @p1 $0x1  }
0x15: {  	[smem:$0x3FB6] =	sst s0;
	s0 =	simm.s32 @!p2 $0x0  }
0x16: {  	s3 =	sld [smem:$0x3FDB];
	s0 =	simm.s32 @p2 $0x1  }
0x17: {  	s4 =	simm.s32 $0x1BF5;
	[smem:$0x3FB8] =	sst s0  }
0x18: {  	s0 =	sld [smem:$0x3F9B];
	_ =	swait.ge [sflag:s4], $0x0  }
0x19: {  	s7 =	sld [smem:$0x3F9C]  }
0x1a: {  	s8 =	sadd.s32 $0xFFFFE003, lr  }
0x1b: {  	s9 =	sadd.s32 $0xFFFFFEF7, lr;
	s5 =	simm.s32 $0xFFFFFFFF;
	p2 =	slt.u32 s8, $0xFFFFF086  }
0x1c: {  	p1 =	slt.u32 s9, $0xF7A;
	s5 =	simm.s32 @!p2 $0x0  }
0x1d: {  	s5 =	simm.s32 @p1 $0x1;
	p0 =	seq.s32 s7, s2  }
0x1e: {  	s7 =	smul.u32 @!p0 $0xF7A, s2;
	p2 =	seq.s32 @!p0 s5, $0x0  }
0x1f: {  	s9 =	smul.u32 $0xF7A, s1;
	s8 =	simm.s32 @!p0 $0x1BF5;
	p2 =	por !p2, p0  }
0x20: {  	[sflag:s8] =	ssyncset.s32 @!p0 $0xFFFFF086;
	s6 =	sadd.s32 @!p0 s3, s7;
	s7 =	simm.s32 @!p0 $0x108  }
0x21: {  	s3 =	sadd.s32 s3, s9;
	s6 =	sadd.s32 @!p0 $0x88, s6;
	s7 =	simm.s32 @p2 $0x1082  }
0x22: {  	[simem:s7], [sflag:s8] =	dma.local @!p0 [hbm:s6], $0xF7A  }
0x23: {  	s9 =	sor.u32 $0xD0000000, s2;
	s6 =	simm.s32 $0x108;
	_ =	swait.ge @!p0 [sflag:s8], $0x0  }
0x24: {  	s3 =	sadd.s32 $0x88, s3;
	s6 =	simm.s32 @!p1 $0x1082;
	[sflag:s4] =	ssyncset.s32 $0xFFFFF086  }
0x25: {  	[simem:s6], [sflag:s4] =	dma.local [hbm:s3], $0xF7A  }
0x26: {  	[smem:$0x3F9C] =	sst s1;
	(tag) =	ssettag s2;
	_ =	strace s9  }
0x27: {  	s1 =	sld [smem:$0x3FAC]  }
0x28: {  	s2 =	sld [smem:$0x3FAD]  }
0x29: {  	s4 =	sld [smem:$0x3FAF]  }
0x2a: {  	p0 =	seq.s32 s5, $0x0;
	s5 =	sld [smem:$0x3FB0]  }
0x2b: {  	s6 =	sld [smem:$0x3FB1]  }
0x2c: {  	s7 =	sld [smem:$0x3FB2]  }
0x2d: {  	s3 =	simm.s32 $0x108;
	s8 =	sld [smem:$0x3FB3]  }
0x2e: {  	s3 =	simm.s32 @!p0 $0x1082;
	s9 =	sld [smem:$0x3FB4]  }
0x2f: {  	lr =	sadd.s32 s0, s3;
	s0 =	sld [smem:$0x3FAB]  }
0x30: {  	s3 =	sld [smem:$0x3FAE]  }
0x31: {  	[smem:$0x3FB7] =	sst s10  }
0x32: {  	s10 =	sld [smem:$0x3FB5];
	_ =	sdelay $0x3  }
0x33: {  	p0 =	seq.s32 s10, $0x1;
	s10 =	sld [smem:$0x3FB7];
	_ =	sdelay $0x3  }
0x34: {  	[smem:$0x3FB7] =	sst s10  }
0x35: {  	s10 =	sld [smem:$0x3FB6];
	_ =	sdelay $0x3  }
0x36: {  	p1 =	seq.s32 s10, $0x1;
	s10 =	sld [smem:$0x3FB7];
	_ =	sdelay $0x3  }
0x37: {  	[smem:$0x3FB7] =	sst s10  }
0x38: {  	s10 =	sld [smem:$0x3FB8]  }
0x39: {  	_ = 	snop;
	(pc) =	sbr.ind lr, $3  }
0x3a: {  	_ = 	snop  }
0x3b: {  	_ = 	snop  }
0x3c: {  	p2 =	seq.s32 s10, $0x1;
	s10 =	sld [smem:$0x3FB7]  }
0x3d: {  	_ =	shalt  }
0x3e: {  	_ =	shalt  }
0x3f: {  	_ =	shalt  }
0x40: {  	_ =	shalt  }
0x41: {  	_ =	shalt  }
0x42: {  	_ =	shalt  }
0x43: {  	_ =	shalt  }
0x44: {  	_ =	shalt  }
0x45: {  	_ =	shalt  }
0x46: {  	_ =	shalt  }
0x47: {  	_ =	shalt  }
0x48: {  	_ =	shalt  }
0x49: {  	_ =	shalt  }
0x4a: {  	_ =	shalt  }
0x4b: {  	_ =	shalt  }
0x4c: {  	_ =	shalt  }
0x4d: {  	_ =	shalt  }
0x4e: {  	_ =	shalt  }
0x4f: {  	_ =	shalt  }
0x50: {  	_ =	shalt  }
0x51: {  	_ =	shalt  }
0x52: {  	_ =	shalt  }
0x53: {  	_ =	shalt  }
0x54: {  	_ =	shalt  }
0x55: {  	_ =	shalt  }
0x56: {  	_ =	shalt  }
0x57: {  	_ =	shalt  }
0x58: {  	_ =	shalt  }
0x59: {  	_ =	shalt  }
0x5a: {  	_ =	shalt  }
0x5b: {  	_ =	shalt  }
0x5c: {  	_ =	shalt  }
0x5d: {  	_ =	shalt  }
0x5e: {  	_ =	shalt  }
0x5f: {  	_ =	shalt  }
0x60: {  	_ =	shalt  }
0x61: {  	_ =	shalt  }
0x62: {  	_ =	shalt  }
0x63: {  	_ =	shalt  }
0x64: {  	_ =	shalt  }
0x65: {  	_ =	shalt  }
0x66: {  	_ =	shalt  }
0x67: {  	_ =	shalt  }
0x68: {  	_ =	shalt  }
0x69: {  	_ =	shalt  }
0x6a: {  	_ =	shalt  }
0x6b: {  	_ =	shalt  }
0x6c: {  	_ =	shalt  }
0x6d: {  	_ =	shalt  }
0x6e: {  	_ =	shalt  }
0x6f: {  	_ =	shalt  }
0x70: {  	_ =	shalt  }
0x71: {  	_ =	shalt  }
0x72: {  	_ =	shalt  }
0x73: {  	_ =	shalt  }
0x74: {  	_ =	shalt  }
0x75: {  	_ =	shalt  }
0x76: {  	_ =	shalt  }
0x77: {  	_ =	shalt  }
0x78: {  	_ =	shalt  }
0x79: {  	_ =	shalt  }
0x7a: {  	_ =	shalt  }
0x7b: {  	_ =	shalt  }
0x7c: {  	_ =	shalt  }
0x7d: {  	_ =	shalt  }
0x7e: {  	_ =	shalt  }
0x7f: {  	_ =	shalt  }
0x80: {  	_ =	shalt  }
0x81: {  	_ =	shalt  }
0x82: {  	_ =	shalt  }
0x83: {  	_ =	shalt  }
0x84: {  	_ =	shalt  }
0x85: {  	_ =	shalt  }
0x86: {  	_ =	shalt  }
0x87: {  	_ =	shalt  }
.Lfunc_end0:
.L_simem_size_0:
called_computation_lowered:
.L_overlay_start_0:
0x88: {  	s2 =	sld [smem:$0x3FD9]  }
0x89: {  	s3 =	sld [smem:$0x3FFE];
	_ =	sdelay $0x1  }
0x8a: {  	s1 =	srdreg.scid  }
0x8b: {  	s0 =	sand.u32 $0x1, s1  }
0x8c: {  	s17 =	sshll.u32 s0, $0xA;
	s2 =	sadd.s32 s3, s2  }
0x8d: {  	s2 =	sadd.s32 s2, s17  }
0x8e: {  	[smem:$0x3FC3] =	sst s2  }
0x8f: {  	_ = 	snop  }
0x90: {  	s2 =	sld [smem:$0x3FC9]  }
0x91: {  	s18 =	sld [smem:$0x3FC8]  }
0x92: {  	s4 =	sld [smem:$0x3FC7]  }
0x93: {  	s5 =	sld [smem:$0x3FD0];
	(tm) =	ssettm $0x1  }
0x94: {  	s6 =	sld [smem:$0x3FFB];
	_ =	sdelay $0x3  }
0x95: {  	_ =	strace s6  }
0x96: {  	s6 =	sld [smem:$0x3FFC];
	_ =	sdelay $0x3  }
0x97: {  	_ =	strace s6  }
0x98: {  	s6 =	sld [smem:$0x3FFD];
	_ =	sdelay $0x3  }
0x99: {  	_ =	strace s6  }
0x9a: {  	_ =	strace $0x8FFFFFFF  }
0x9b: {  	s19 =	sld [smem:$0x3FDB];
	_ =	sdelay $0x1  }
0x9c: {  	s7 =	simm.s32 $_scs_section_size  }
0x9d: {  	s8 =	simm.s32 $_size__tile_overlayer_lowered;
	s9 =	simm.s32 $_tile_overlayer_lowered  }
0x9e: {  	s22 =	simm.s32 $0x1BFF;
	s21 =	sshll.u32 s9, $0x1;
	s6 =	sadd.s32 s7, s19  }
0x9f: {  	s10 =	simm.s32 $0x0;
	s20 =	sshll.u32 s8, $0x1;
	s8 =	sadd.s32 s21, s6  }
0xa0: {  	[timem:s10], [sflag:s22] =	dma.local [hbm:s8], s20  }
0xa1: {  	_ =	swait.ge [sflag:s22], s20  }
0xa2: {  	s7 =	ssub.s32 $0x0, s20;
	[sflag:s22] =	ssyncset.done $0x0  }
0xa3: {  	[sflag:s22] =	ssyncadd.s32 s7;
	_ =	sdelay $0x1  }
0xa4: {  	s23 =	simm.s32 $0x1B8B  }
0xa5: {  	_ =	swait.ge [sflag:s23], $0x1  }
0xa6: {  	[sflag:s23] =	ssyncset.done $0x0  }
0xa7: {  	s25 =	simm.s32 $0x1B8E;
	s24 =	sld [smem:$0x3FFE];
	[sflag:s23] =	ssyncadd.s32 $0xFFFFFFFF  }
0xa8: {  	s26 =	simm.s32 $execute0_lowered;
	[smem:$0x3FD2] =	sst s25  }
0xa9: {  	s8 =	sshll.u32 s26, $0x1;
	_ =	strace $0x80000046;
	[dreg:$0x1] =	wrdreg $0xFFFFFFFF  }
0xaa: {  	s28 =	simm.s32 $_size_execute0_lowered;
	s6 =	sadd.s32 s6, s8;
	[dreg:$0x0] =	wrdreg $0x0  }
0xab: {  	s8 =	sshll.u32 s28, $0x1;
	[dreg:$0x2] =	wrdreg s6  }
0xac: {  	[dreg:$0x3] =	wrdreg s8  }
0xad: {  	[dreg:$0x4] =	wrdreg $0xC0  }
0xae: {  	_ =	task [dreg:s10], $0x5FFFF  }
0xaf: {  	[dreg:$0x1] =	wrdreg $0xFFFFFFFF  }
0xb0: {  	[dreg:$0x0] =	wrdreg $0x60  }
0xb1: {  	[dreg:$0x2] =	wrdreg s2  }
0xb2: {  	[dreg:$0x3] =	wrdreg s18  }
0xb3: {  	[dreg:$0x4] =	wrdreg s4  }
0xb4: {  	[dreg:$0x5] =	wrdreg s24  }
0xb5: {  	[dreg:$0x6] =	wrdreg s5  }
0xb6: {  	[dreg:$0x7] =	wrdreg $0x9  }
0xb7: {  	_ =	task.clear_ibuf [dreg:s10], $0x8FFFF;
	_ =	strace $0x90000046  }
0xb8: {  	s29 =	simm.s32 $0x9;
	_ =	strace $0x80000048  }
0xb9: {  	_ =	swait.ge [sflag:s29], $0x1  }
0xba: {  	[sflag:s29] =	ssyncadd.s32 $0xFFFFFFFF  }
0xbb: {  	_ =	strace $0x90000048  }
0xbc: {  	_ =	sfence  }
0xbd: {  	s30 =	sld [smem:$0x0];
	_ =	sdelay $0x2  }
0xbe: {  	s31 =	sshll.u32 s1, $0xD;
	s1 =	sshrl.u32 s1, $0x2  }
0xbf: {  	s3 =	sand.u32 $0x4000, s31;
	s1 =	sadd.s32 s1, s30  }
0xc0: {  	s0 =	sor.u32 s3, s0;
	s1 =	sshll.u32 s1, $0x11  }
0xc1: {  	s0 =	sor.u32 s1, s0  }
0xc2: {  	s0 =	sadd.s32 $0x8F2B, s0  }
0xc3: {  	[sflag:s0] =	ssyncadd.remote.s32 $0x1  }
0xc4: {  	_ =	sfence.sel $0xFFFF  }
0xc5: {  	[dreg:$0x0] =	wrdreg $0xFFFFFFFF;
	(pc) =	sbr.abs _section_cstart, $3  }
0xc6: {  	[dreg:$0x1] =	wrdreg $0xFFFFFFFF  }
0xc7: {  	_ =	task.clear_ibuf [dreg:s10], $0x2FFFF;
	_ =	strace $0x9FFFFFFF  }
0xc8: {  	(tm) =	ssettm $0x7FFFFFFF  }
0xc9: {  	_ =	shalt  }
tec
execute0_lowered:
.L_overlay_start_1:
0x0: {  	(tag) =	ssettag $0x1  }
0x1: {  	s0 =	rddreg [dreg:$0x0]  }
0x2: {  	s1 =	rddreg [dreg:$0x1]  }
0x3: {  	s7 =	rddreg [dreg:$0x2]  }
0x4: {  	s5 =	rddreg [dreg:$0x3]  }
0x5: {  	s17 =	rddreg [dreg:$0x4];
	s2 =	simm.s32 $0x0;
	s3 =	srdreg.scid  }
0x6: {  	s4 =	stileid.u32;
	s21 =	simm.s32 $0x2;
	s22 =	simm.s32 $0x200  }
0x7: {  	s23 =	simm.s32 $0x400;
	s24 =	simm.s32 $0x80;
	s28 =	simm.s32 $0x8600  }
0x8: {  	s29 =	simm.s32 $0x1;
	s30 =	simm.s32 $0x0;
	[smem:$0x7FF] =	sst s2  }
0x9: {  	s6 =	sand.u32 $0x1, s3;
	s8 =	sshll.u32 s4, $0xA;
	s4 =	sadd.s32 $0x7B1200, s5  }
0xa: {  	s3 =	sadd.s32 $0x1200, s5;
	s18 =	sadd.s32 $0xF61200, s5;
	s9 =	sshll.u32 s6, $0x9  }
0xb: {  	s19 =	sadd.s32 $0xFA1200, s5;
	s6 =	ssub.s32 $0x2, s6;
	s8 =	sor.u32 s9, s8  }
0xc: {  	_ =	strace $0x80000047;
	s25 =	sshrl.u32 s6, $0x1;
	s10 =	sshrl.u32 s8, $0x3  }
0xd: {  	s20 =	ssub.s32 s6, s25;
	s26 =	sshll.u32 s8, $0x4;
	s25 =	simm.s32 $0x600  }
0xe: {  	s0 =	sadd.s32 s0, s10;
	s6 =	sadd.s32 s1, s10;
	s7 =	sadd.s32 s7, s10  }
0xf: {  	s8 =	sadd.s32 s17, s26;
	s9 =	sadd.s32 s18, s26;
	s31 =	sor.u32 $0x800, s26  }
0x10: {  	s10 =	sadd.s32 s19, s26;
	s16 =	sor.u32 $0x1000, s26;
	s20 =	smax.u32 s20, $0x1  }
0x11: {  	[dreg:$0x6] =	wrdreg s0;
	s11 =	sadd.s32 s17, s31;
	s12 =	sadd.s32 s18, s31  }
0x12: {  	s13 =	sadd.s32 s19, s31;
	s14 =	sadd.s32 s17, s16;
	s15 =	sadd.s32 s18, s16  }
0x13: {  	s16 =	sadd.s32 s19, s16;
	s0 =	sor.u32 $0x1800, s26;
	s26 =	simm.s32 $0x4600  }
0x14: {  	s17 =	sadd.s32 s17, s0;
	s18 =	sadd.s32 s18, s0;
	s19 =	sadd.s32 s19, s0  }
.LBB2_1:
0x15: {  	s0 =	rddreg [dreg:$0x6]  }
0x16: {  	[tilespmem:s2], [sflag:$0x2] =	stream.linear.gather [hbm4b:s0+s2], $0x200, $0x38;
	[tilespmem:$0xC600] =	vst v63  }
0x17: {  	_ =	swait.ge [sflag:s21], $0x200  }
0x18: {  	[sflag:s21] =	ssyncset.done $0x0  }
0x19: {  	[sflag:s21] =	ssyncadd.s32 $0xFFFFFE00  }
0x1a: {  	[tilespmem:s22], [sflag:$0x2] =	stream.linear.gather [hbm4b:s6+s2], $0x200, $0x38;
	[tilespmem:$0xC600] =	vst v63  }
0x1b: {  	_ =	swait.ge [sflag:s21], $0x200  }
0x1c: {  	[sflag:s21] =	ssyncset.done $0x0  }
0x1d: {  	[sflag:s21] =	ssyncadd.s32 $0xFFFFFE00  }
0x1e: {  	[tilespmem:s23], [sflag:$0x2] =	stream.linear.gather [hbm4b:s7+s2], $0x200, $0x38;
	[tilespmem:$0xC600] =	vst v63  }
0x1f: {  	_ =	swait.ge [sflag:s21], $0x200  }
0x20: {  	[sflag:s21] =	ssyncset.done $0x0  }
0x21: {  	s31 =	simm.s32 $0x0;
	[sflag:s21] =	ssyncadd.s32 $0xFFFFFE00  }
0x22: {  	v1 =	vld [tilespmem:s31+$0x400]  }
0x23: {  	v2 =	vld [tilespmem:s31+$0x0]  }
0x24: {  	v0 =	vld [tilespmem:s31+$0x200];
	_ =	sdelay $0x2  }
0x25: {  	v3 =	vshrl.u32 v1, $0x1;
	v4 =	vand.u32 $0xFFF, v1  }
0x26: {  	v5 =	vshrl.u32 v2, $0x1;
	v1 =	vand.u32 $0xFFF, v2;
	v6 =	vand.u32 $0x7FFFF000, v3  }
0x27: {  	s1 =	simm.s32 $0x40;
	s0 =	simm.s32 $0x80;
	v2 =	vshrl.u32 v0, $0x1;
	v3 =	vand.u32 $0x7FFFF000, v5;
	v4 =	vor.u32 v4, v6  }
.LBB2_2:
0x28: {  	p0 =	sne.s32 s0, $0x7C0  }
0x29: {  	s5 =	sshra.s32 s1, $0x2;
	v1 =	vor.u32 v1, v3;
	v2 =	vand.u32 $0x7FFFF000, v2;
	v0 =	vand.u32 $0xFFF, v0;
	[tilespmem:s31+$0x400] =	vst v4;
	s1 =	smov.u32 s0;
	s0 =	sadd.s32 $0x40, s0  }
0x2a: {  	v3 =	vld [tilespmem:s5+$0x400];
	[tilespmem:s31+$0x0] =	vst v1;
	v0 =	vor.u32 v0, v2  }
0x2b: {  	v1 =	vld [tilespmem:s5+$0x0];
	[tilespmem:s31+$0x200] =	vst v0;
	s31 =	smov.u32 s5  }
0x2c: {  	v0 =	vld [tilespmem:s31+$0x200]  }
.Ltmp0:
0x2d: {  	(pc) =	sbr.rel @p0 .LBB2_2-.Ltmp0, $4  }
0x2e: {  	_ = 	snop  }
0x2f: {  	v2 =	vshrl.u32 v3, $0x1;
	v4 =	vand.u32 $0xFFF, v3  }
0x30: {  	v3 =	vshrl.u32 v1, $0x1;
	v1 =	vand.u32 $0xFFF, v1;
	v5 =	vand.u32 $0x7FFFF000, v2  }
0x31: {  	v3 =	vand.u32 $0x7FFFF000, v3;
	v2 =	vshrl.u32 v0, $0x1;
	v4 =	vor.u32 v4, v5  }
0x32: {  	s0 =	sshra.s32 s1, $0x2;
	[tilespmem:s31+$0x400] =	vst v4;
	v1 =	vor.u32 v1, v3;
	v2 =	vand.u32 $0x7FFFF000, v2;
	v0 =	vand.u32 $0xFFF, v0  }
0x33: {  	v60 =	vld [tilespmem:s0+$0x400];
	[tilespmem:s31+$0x0] =	vst v1;
	v0 =	vor.u32 v0, v2  }
0x34: {  	v1 =	vld [tilespmem:s0+$0x0];
	[tilespmem:s31+$0x200] =	vst v0  }
0x35: {  	v0 =	vld [tilespmem:s0+$0x200];
	_ =	sdelay $0x2  }
0x36: {  	v61 =	vshrl.u32 v60, $0x1;
	v3 =	vand.u32 $0xFFF, v60  }
0x37: {  	v62 =	vshrl.u32 v1, $0x1;
	v1 =	vand.u32 $0xFFF, v1;
	v2 =	vand.u32 $0x7FFFF000, v61  }
0x38: {  	v4 =	vand.u32 $0x7FFFF000, v62;
	v5 =	vshrl.u32 v0, $0x1;
	v2 =	vor.u32 v3, v2  }
0x39: {  	v0 =	vand.u32 $0xFFF, v0;
	v1 =	vor.u32 v1, v4;
	v63 =	vand.u32 $0x7FFFF000, v5;
	[tilespmem:s0+$0x400] =	vst v2  }
0x3a: {  	[tilespmem:s0+$0x0] =	vst v1;
	v0 =	vor.u32 v0, v63  }
0x3b: {  	[tilespmem:s0+$0x200] =	vst v0  }
0x3c: {  	[tilespmem:s25], [sflag:$0x1] =	stream.indirect.gather [hbm4b:s3+s24], $0x80, s2, s24, $0xb8;
	[tilespmem:$0xC600] =	vst v63  }
0x3d: {  	_ = 	snop  }
0x3e: {  	[tilespmem:s26], [sflag:$0x1] =	stream.indirect.gather [hbm4b:s4+s24], $0x80, s22, s24, $0xb8;
	[tilespmem:$0xC600] =	vst v63  }
0x3f: {  	_ = 	snop  }
0x40: {  	[tilespmem:s28], [sflag:$0x1] =	stream.indirect.gather [hbm4b:s4+s24], $0x80, s23, s24, $0xb8;
	[tilespmem:$0xC600] =	vst v63  }
0x41: {  	_ =	swait.ge [sflag:s29], $0x4000  }
0x42: {  	[sflag:s29] =	ssyncset.done $0x0  }
0x43: {  	[sflag:s29] =	ssyncadd.s32 $0xFFFFC000  }
0x44: {  	[hbm4b:s8+s2] =	stream.linear.scatter [tilespmem:s25], [sflag:$0x2], $0x4000, $0x38;
	[tilespmem:$0xC600] =	vst v63  }
0x45: {  	_ =	swait.ge [sflag:s21], $0x4000  }
0x46: {  	[sflag:s21] =	ssyncset.done $0x0  }
0x47: {  	[sflag:s21] =	ssyncadd.s32 $0xFFFFC000  }
0x48: {  	_ =	swait.ge [sflag:s29], $0x4000  }
0x49: {  	[sflag:s29] =	ssyncset.done $0x0  }
0x4a: {  	[sflag:s29] =	ssyncadd.s32 $0xFFFFC000  }
0x4b: {  	[hbm4b:s9+s2] =	stream.linear.scatter [tilespmem:s26], [sflag:$0x2], $0x4000, $0x38;
	[tilespmem:$0xC600] =	vst v63  }
0x4c: {  	_ =	swait.ge [sflag:s21], $0x4000  }
0x4d: {  	[sflag:s21] =	ssyncset.done $0x0  }
0x4e: {  	[sflag:s21] =	ssyncadd.s32 $0xFFFFC000  }
0x4f: {  	_ =	swait.ge [sflag:s29], $0x4000  }
0x50: {  	[sflag:s29] =	ssyncset.done $0x0  }
0x51: {  	[sflag:s29] =	ssyncadd.s32 $0xFFFFC000  }
0x52: {  	[hbm4b:s10+s2] =	stream.linear.scatter [tilespmem:s28], [sflag:$0x2], $0x4000, $0x38;
	[tilespmem:$0xC600] =	vst v63  }
0x53: {  	_ =	swait.ge [sflag:s21], $0x4000  }
0x54: {  	[sflag:s21] =	ssyncset.done $0x0  }
0x55: {  	[sflag:s21] =	ssyncadd.s32 $0xFFFFC000  }
0x56: {  	[tilespmem:s25], [sflag:$0x1] =	stream.indirect.gather [hbm4b:s3+s24], $0x80, s24, s24, $0xb8;
	[tilespmem:$0xC600] =	vst v63  }
0x57: {  	s5 =	simm.s32 $0x280  }
0x58: {  	[tilespmem:s26], [sflag:$0x1] =	stream.indirect.gather [hbm4b:s4+s24], $0x80, s5, s24, $0xb8;
	[tilespmem:$0xC600] =	vst v63  }
0x59: {  	s31 =	simm.s32 $0x480  }
0x5a: {  	[tilespmem:s28], [sflag:$0x1] =	stream.indirect.gather [hbm4b:s4+s24], $0x80, s31, s24, $0xb8;
	[tilespmem:$0xC600] =	vst v63  }
0x5b: {  	_ =	swait.ge [sflag:s29], $0x4000  }
0x5c: {  	[sflag:s29] =	ssyncset.done $0x0  }
0x5d: {  	[sflag:s29] =	ssyncadd.s32 $0xFFFFC000  }
0x5e: {  	[hbm4b:s11+s2] =	stream.linear.scatter [tilespmem:s25], [sflag:$0x2], $0x4000, $0x38;
	[tilespmem:$0xC600] =	vst v63  }
0x5f: {  	_ =	swait.ge [sflag:s21], $0x4000  }
0x60: {  	[sflag:s21] =	ssyncset.done $0x0  }
0x61: {  	[sflag:s21] =	ssyncadd.s32 $0xFFFFC000  }
0x62: {  	_ =	swait.ge [sflag:s29], $0x4000  }
0x63: {  	[sflag:s29] =	ssyncset.done $0x0  }
0x64: {  	[sflag:s29] =	ssyncadd.s32 $0xFFFFC000  }
0x65: {  	[hbm4b:s12+s2] =	stream.linear.scatter [tilespmem:s26], [sflag:$0x2], $0x4000, $0x38;
	[tilespmem:$0xC600] =	vst v63  }
0x66: {  	_ =	swait.ge [sflag:s21], $0x4000  }
0x67: {  	[sflag:s21] =	ssyncset.done $0x0  }
0x68: {  	[sflag:s21] =	ssyncadd.s32 $0xFFFFC000  }
0x69: {  	_ =	swait.ge [sflag:s29], $0x4000  }
0x6a: {  	[sflag:s29] =	ssyncset.done $0x0  }
0x6b: {  	[sflag:s29] =	ssyncadd.s32 $0xFFFFC000  }
0x6c: {  	[hbm4b:s13+s2] =	stream.linear.scatter [tilespmem:s28], [sflag:$0x2], $0x4000, $0x38;
	[tilespmem:$0xC600] =	vst v63  }
0x6d: {  	_ =	swait.ge [sflag:s21], $0x4000  }
0x6e: {  	[sflag:s21] =	ssyncset.done $0x0  }
0x6f: {  	s1 =	simm.s32 $0x100;
	[sflag:s21] =	ssyncadd.s32 $0xFFFFC000  }
0x70: {  	[tilespmem:s25], [sflag:$0x1] =	stream.indirect.gather [hbm4b:s3+s24], $0x80, s1, s24, $0xb8;
	[tilespmem:$0xC600] =	vst v63  }
0x71: {  	s5 =	simm.s32 $0x300  }
0x72: {  	[tilespmem:s26], [sflag:$0x1] =	stream.indirect.gather [hbm4b:s4+s24], $0x80, s5, s24, $0xb8;
	[tilespmem:$0xC600] =	vst v63  }
0x73: {  	s31 =	simm.s32 $0x500  }
0x74: {  	[tilespmem:s28], [sflag:$0x1] =	stream.indirect.gather [hbm4b:s4+s24], $0x80, s31, s24, $0xb8;
	[tilespmem:$0xC600] =	vst v63  }
0x75: {  	_ =	swait.ge [sflag:s29], $0x4000  }
0x76: {  	[sflag:s29] =	ssyncset.done $0x0  }
0x77: {  	[sflag:s29] =	ssyncadd.s32 $0xFFFFC000  }
0x78: {  	[hbm4b:s14+s2] =	stream.linear.scatter [tilespmem:s25], [sflag:$0x2], $0x4000, $0x38;
	[tilespmem:$0xC600] =	vst v63  }
0x79: {  	_ =	swait.ge [sflag:s21], $0x4000  }
0x7a: {  	[sflag:s21] =	ssyncset.done $0x0  }
0x7b: {  	[sflag:s21] =	ssyncadd.s32 $0xFFFFC000  }
0x7c: {  	_ =	swait.ge [sflag:s29], $0x4000  }
0x7d: {  	[sflag:s29] =	ssyncset.done $0x0  }
0x7e: {  	[sflag:s29] =	ssyncadd.s32 $0xFFFFC000  }
0x7f: {  	[hbm4b:s15+s2] =	stream.linear.scatter [tilespmem:s26], [sflag:$0x2], $0x4000, $0x38;
	[tilespmem:$0xC600] =	vst v63  }
0x80: {  	_ =	swait.ge [sflag:s21], $0x4000  }
0x81: {  	[sflag:s21] =	ssyncset.done $0x0  }
0x82: {  	[sflag:s21] =	ssyncadd.s32 $0xFFFFC000  }
0x83: {  	_ =	swait.ge [sflag:s29], $0x4000  }
0x84: {  	[sflag:s29] =	ssyncset.done $0x0  }
0x85: {  	[sflag:s29] =	ssyncadd.s32 $0xFFFFC000  }
0x86: {  	[hbm4b:s16+s2] =	stream.linear.scatter [tilespmem:s28], [sflag:$0x2], $0x4000, $0x38;
	[tilespmem:$0xC600] =	vst v63  }
0x87: {  	_ =	swait.ge [sflag:s21], $0x4000  }
0x88: {  	[sflag:s21] =	ssyncset.done $0x0  }
0x89: {  	s1 =	simm.s32 $0x180;
	[sflag:s21] =	ssyncadd.s32 $0xFFFFC000  }
0x8a: {  	[tilespmem:s25], [sflag:$0x1] =	stream.indirect.gather [hbm4b:s3+s24], $0x80, s1, s24, $0xb8;
	[tilespmem:$0xC600] =	vst v63  }
0x8b: {  	s5 =	simm.s32 $0x380  }
0x8c: {  	[tilespmem:s26], [sflag:$0x1] =	stream.indirect.gather [hbm4b:s4+s24], $0x80, s5, s24, $0xb8;
	[tilespmem:$0xC600] =	vst v63  }
0x8d: {  	s31 =	simm.s32 $0x580  }
0x8e: {  	[tilespmem:s28], [sflag:$0x1] =	stream.indirect.gather [hbm4b:s4+s24], $0x80, s31, s24, $0xb8;
	[tilespmem:$0xC600] =	vst v63  }
0x8f: {  	_ =	swait.ge [sflag:s29], $0x4000  }
0x90: {  	[sflag:s29] =	ssyncset.done $0x0  }
0x91: {  	[sflag:s29] =	ssyncadd.s32 $0xFFFFC000  }
0x92: {  	[hbm4b:s17+s2] =	stream.linear.scatter [tilespmem:s25], [sflag:$0x2], $0x4000, $0x38;
	[tilespmem:$0xC600] =	vst v63  }
0x93: {  	_ =	swait.ge [sflag:s21], $0x4000  }
0x94: {  	[sflag:s21] =	ssyncset.done $0x0  }
0x95: {  	[sflag:s21] =	ssyncadd.s32 $0xFFFFC000  }
0x96: {  	_ =	swait.ge [sflag:s29], $0x4000  }
0x97: {  	[sflag:s29] =	ssyncset.done $0x0  }
0x98: {  	[sflag:s29] =	ssyncadd.s32 $0xFFFFC000  }
0x99: {  	[hbm4b:s18+s2] =	stream.linear.scatter [tilespmem:s26], [sflag:$0x2], $0x4000, $0x38;
	[tilespmem:$0xC600] =	vst v63  }
0x9a: {  	_ =	swait.ge [sflag:s21], $0x4000  }
0x9b: {  	[sflag:s21] =	ssyncset.done $0x0  }
0x9c: {  	[sflag:s21] =	ssyncadd.s32 $0xFFFFC000  }
0x9d: {  	s30 =	sadd.s32 $0x1, s30;
	_ =	swait.ge [sflag:s29], $0x4000  }
0x9e: {  	p0 =	sne.s32 s30, s20;
	[sflag:s29] =	ssyncset.done $0x0  }
.Ltmp1:
0x9f: {  	[sflag:s29] =	ssyncadd.s32 $0xFFFFC000;
	(pc) =	sbr.rel @p0 .LBB2_1-.Ltmp1, $4  }
0xa0: {  	[hbm4b:s19+s2] =	stream.linear.scatter [tilespmem:s28], [sflag:$0x2], $0x4000, $0x38;
	[tilespmem:$0xC600] =	vst v63  }
0xa1: {  	_ =	swait.ge [sflag:s21], $0x4000  }
0xa2: {  	[sflag:s21] =	ssyncset.done $0x0  }
0xa3: {  	[sflag:s21] =	ssyncadd.s32 $0xFFFFC000  }
0xa4: {  	_ =	sfence.sel $0x180000  }
0xa5: {  	[bflag:$0x0] =	sbarrier.arrive $0xFFFF  }
0xa6: {  	_ =	strace $0x90000047  }
0xa7: {  	s0 =	stileid.u32;
	[bflag:$0x2] =	sbarrier.arrive $0xFFFF  }
0xa8: {  	p0 =	sne.s32 s0, $0x0;
	s0 =	rddreg [dreg:$0x5]  }
0xa9: {  	s0 =	sadd.s32 @!p0 $0x100000, s0  }
0xaa: {  	[sflag:s0] =	ssyncadd.tile.s32 @!p0 $0x1;
	_ =	shalt  }
.Lfunc_end2:
_tile_overlayer_lowered:
.L_overlay_start_2:
0xab: {  	(tag) =	ssettag $0x2  }
0xac: {  	s0 =	rddreg [dreg:$0x0];
	s2 =	stileid.u32  }
0xad: {  	s1 =	rddreg [dreg:$0x1];
	p0 =	sne.s32 s2, $0x0  }
0xae: {  	s3 =	rddreg [dreg:$0x2];
	[bflag:$0x3] =	sbarrier.arrive $0xFFFF;
	s2 =	simm.s32 @!p0 $0x1C02  }
0xaf: {  	[timem:s3], [sflag:s2] =	dma.local @!p0 [hbm:s0], s1  }
0xb0: {  	s0 =	simm.s32 @!p0 $0x2  }
0xb1: {  	_ =	swait.ge @!p0 [sflag:s0], s1  }
0xb2: {  	s1 =	ssub.s32 @!p0 $0x0, s1;
	[sflag:s0] =	ssyncset.done @!p0 $0x0  }
0xb3: {  	[sflag:s0] =	ssyncadd.s32 @!p0 s1  }
0xb4: {  	[bflag:$0x3] =	sbarrier.arrive $0xFFFF  }
0xb5: {  	_ =	shalt  }

</sc_bundles>
